<compile_context>
chip_gen: v7x
topology: tpu7x:2x2x1
jax: 0.10.2.dev20260603
libtpu: 0.0.44.dev20260713+nightly
codegen_flags: <defaults>
</compile_context>

<pallas_src>
import functools

import jax
import jax.numpy as jnp
from jax import lax
from jax.experimental import pallas as pl
from jax.experimental.pallas import tpu as pltpu
from jax.experimental.pallas import tpu_sc as plsc

N = 1024
NBINS = 64
NMASK = 38
K = 25
RB = 8
TB = 128
BIG = 1.0e6
L = 16
NW = 32
SCROWS = 128
RPW = SCROWS // NW


def _ent_body(lg_ref, rit_ref, ri_ref, cit_ref, ci_ref, out_ref):
    x = lg_ref[...]

    xc = jnp.clip(x, -60.0, 60.0)
    e = jnp.exp(xc)
    sall = jnp.sum(e, axis=1)
    s0 = jnp.sum(e[:, :NMASK, :], axis=1)
    s1 = jnp.sum(xc[:, :NMASK, :] * e[:, :NMASK, :], axis=1)

    ent = jnp.log(sall) - s1 / s0

    ri_rows = rit_ref[...]
    ci_rows = cit_ref[...]
    cond = (jnp.abs(ri_rows - ri_ref[...]) >= 10) | (ci_rows != ci_ref[...])
    out_ref[...] = jnp.where(cond, ent, BIG)


def _topk_tc_body(ent_ref, out_ref):
    i = pl.program_id(0)
    work = ent_ref[...]
    colio = jax.lax.broadcasted_iota(jnp.int32, (TB, N), 1)
    acc = jnp.zeros((TB, 1), jnp.float32)
    for _ in range(K):
        m = jnp.min(work, axis=1, keepdims=True)
        acc = acc + m
        ismin = work == m
        first = jnp.min(jnp.where(ismin, colio, N), axis=1, keepdims=True)
        work = jnp.where(colio == first, jnp.float32(jnp.inf), work)

    partial = jnp.sum(acc) * (1.0 / (K * N))

    @pl.when(i == 0)
    def _():
        out_ref[...] = jnp.zeros_like(out_ref)

    out_ref[...] += jnp.reshape(partial, (1, 1))


def _sort16(x):
    return plsc.sort_key_val(x, x)[0]


def _rv(x):
    return lax.rev(x, (0,))


def _topk_sc_body(ent_hbm, out_hbm, rows_v, res_v, cmin_v):
    wid = lax.axis_index("s") * 2 + lax.axis_index("c")
    base = wid * RPW
    pltpu.sync_copy(ent_hbm.at[pl.ds(N - SCROWS + base, RPW)], rows_v)

    lane = lax.iota(jnp.int32, L)
    inf16 = jnp.full((L,), jnp.inf, jnp.float32)
    NCH = N // L

    def chunk_fn(r, c, carry):
        a, b, bound = carry
        cmin = cmin_v[c]

        def do_merge(_):
            v = rows_v[r, pl.ds(c * L, L)]
            sc = _sort16(v)
            lo1 = _sort16(jnp.minimum(b, _rv(sc)))
            hi1 = _sort16(jnp.maximum(b, _rv(sc)))
            na = _sort16(jnp.minimum(a, _rv(lo1)))
            mid = _sort16(jnp.maximum(a, _rv(lo1)))
            nb = _sort16(jnp.minimum(mid, _rv(hi1)))
            return na, nb, jnp.max(nb)

        return lax.cond(cmin < bound, do_merge, lambda _: carry, 0)

    def row_fn(j, acc):
        r = j

        def premin(c, _):
            cmin_v[c] = jnp.min(rows_v[r, pl.ds(c * L, L)])
            return 0

        lax.fori_loop(0, NCH, premin, 0)

        a, b, _ = lax.fori_loop(0, NCH, functools.partial(chunk_fn, r),
                                (inf16, inf16, jnp.float32(jnp.inf)))
        contrib = a + jnp.where(lane < K - L, b, 0.0)
        s25 = jnp.sum(contrib)
        return jnp.where(lane == j, s25, acc)

    acc = lax.fori_loop(0, RPW, row_fn, jnp.zeros((L,), jnp.float32))
    res_v[pl.ds(0, L)] = acc

    pltpu.sync_copy(res_v, out_hbm.at[wid])


def kernel(distogram_logits, residue_index, asym_id):
    lg = jnp.transpose(distogram_logits, (0, 1, 3, 2)).reshape(N, NBINS, N)
    ri = residue_index.reshape(1, N).astype(jnp.int32)
    ci = asym_id.reshape(1, N).astype(jnp.int32)
    rit = ri.reshape(N, 1)
    cit = ci.reshape(N, 1)

    ent = pl.pallas_call(
        _ent_body,
        grid=(N // RB,),
        in_specs=[
            pl.BlockSpec((RB, NBINS, N), lambda i: (i, 0, 0)),
            pl.BlockSpec((RB, 1), lambda i: (i, 0)),
            pl.BlockSpec((1, N), lambda i: (0, 0)),
            pl.BlockSpec((RB, 1), lambda i: (i, 0)),
            pl.BlockSpec((1, N), lambda i: (0, 0)),
        ],
        out_specs=pl.BlockSpec((RB, N), lambda i: (i, 0)),
        out_shape=jax.ShapeDtypeStruct((N, N), jnp.float32),
    )(lg, rit, ri, cit, ci)

    mesh = plsc.VectorSubcoreMesh(core_axis_name="c", subcore_axis_name="s")
    topk_sc = functools.partial(
        pl.kernel,
        mesh=mesh,
        out_type=jax.ShapeDtypeStruct((NW, L), jnp.float32),
        scratch_types=[
            pltpu.VMEM((RPW, N), jnp.float32),
            pltpu.VMEM((L,), jnp.float32),
            pltpu.SMEM((N // L,), jnp.float32),
        ],
        compiler_params=pltpu.CompilerParams(needs_layout_passes=False),
    )(_topk_sc_body)
    sc_row_sums = topk_sc(ent)

    tc_part = pl.pallas_call(
        _topk_tc_body,
        grid=((N - SCROWS) // TB,),
        in_specs=[pl.BlockSpec((TB, N), lambda i: (i, 0))],
        out_specs=pl.BlockSpec((1, 1), lambda i: (0, 0)),
        out_shape=jax.ShapeDtypeStruct((1, 1), jnp.float32),
    )(ent)

    return tc_part[0, 0] + jnp.sum(sc_row_sums) * (1.0 / (K * N))

# --- scband reference (transcript-rebuilt; emitter-appended) ---
"""Pipeline reference for scband-joltz-result-39067022524637 (READ-ONLY COPY).

The authoritative reference and input builder live on the scoring server;
editing this copy changes nothing except your own understanding.
"""

import jax, jax.numpy as jnp
import numpy as np


def setup_inputs(seed: int = 0) -> dict:
    key = jax.random.key(seed)
    k1, k2 = jax.random.split(key)
    N = 1024
    NUM_BINS = 64
    distogram_logits = jax.random.normal(k1, (1, N, N, NUM_BINS), dtype=jnp.float32)
    residue_index = jnp.arange(N, dtype=jnp.int32).reshape(1, N)
    asym_id = jnp.sort(jax.random.randint(k2, (1, N), 0, 2, dtype=jnp.int32), axis=-1)
    return {
        "distogram_logits": distogram_logits,
        "residue_index": residue_index,
        "asym_id": asym_id,
    }


def reference(distogram_logits, residue_index, asym_id):
    # JoltzResult.contact_score(contact_distance=14.0, min_resi_distance=10, num_contacts=25)
    contact_distance = 14.0
    min_resi_distance = 10
    num_contacts = 25

    # log_distogram property
    logits = distogram_logits[0]
    log_distogram = jax.nn.log_softmax(logits, axis=-1)

    # distogram_bin_edges property
    bin_edges = jnp.linspace(2.0, 22.0, 65)

    # contact_entropy
    edge_mask = bin_edges[1:] < contact_distance
    distogram_clipped = jax.nn.softmax(log_distogram - 1000000000.0 * (1 - edge_mask), axis=-1)
    distogram_clipped = jnp.where(edge_mask, distogram_clipped, 0)
    entropy = -(distogram_clipped * log_distogram).sum(axis=-1)

    # contact_score masking
    ri = residue_index[0]
    ci = asym_id[0]
    resi_dist = jnp.abs(ri[:, None] - ri[None, :])
    other_chain = ci[:, None] != ci[None, :]
    cond = ((resi_dist >= min_resi_distance).astype(jnp.int32) + other_chain.astype(jnp.int32)) > 0
    entropy = jnp.where(cond, entropy, 1000000.0)

    # top-k (smallest entropy) via sort, then mean
    contact_score = jnp.sort(entropy, axis=1)[:, :num_contacts].mean(axis=-1).mean()
    return contact_score

if __name__ == "__main__":
    import jax
    _d = setup_inputs()
    print(jax.jit(kernel)(*tuple(_d.values())))

</pallas_src>

<mosaic_0001>
#map = affine_map<(d0, d1) -> (0, 0)>
module attributes {stable_mosaic.version = 14 : i64} {
  func.func @_topk_sc_body(%arg0: i32, %arg1: i32, %arg2: memref<1024x1024xf32, #tpu.memory_space<hbm>>, %arg3: memref<32x16xf32, #tpu.memory_space<hbm>>, %arg4: memref<4x1024xf32, #tpu.memory_space<vmem>>, %arg5: memref<16xf32, #tpu.memory_space<vmem>>, %arg6: memref<64xf32, #tpu.memory_space<smem>>) attributes {dimension_semantics = [#tpu.dimension_semantics<core_parallel>, #tpu.dimension_semantics<subcore_parallel>], iteration_bounds = array<i64: 2, 16>, scalar_prefetch = 0 : i64, scratch_operands = 3 : i64, tpu.core_type = #tpu.core_type<sc_vector_subcore>, window_params = [{transform_indices = #map}, {transform_indices = #map}]} {
    %mul3A = arith.constant 2 : i32
    %mul3A_0 = arith.muli %arg1, %mul3A : i32
    %add3A = arith.addi %mul3A_0, %arg0 : i32
    %mul3A_1 = arith.constant 4 : i32
    %mul3A_2 = arith.muli %add3A, %mul3A_1 : i32
    %add3A_3 = arith.constant 896 : i32
    %add3A_4 = arith.addi %add3A_3, %mul3A_2 : i32
    "tpu.region"() ({
      %run_scoped3A = tpu.sem_alloc : memref<!tpu.dma_semaphore, #tpu.memory_space<semaphore_mem>>
      %dma_start3A = arith.constant 0 : i32
      %dma_start3A_14 = tpu.memref_slice %arg2[%add3A_4, %dma_start3A] : memref<1024x1024xf32, #tpu.memory_space<hbm>> -> memref<4x1024xf32, #tpu.memory_space<hbm>>
      %dma_start3A_15 = arith.constant 0 : i32
      %dma_start3A_16 = tpu.memref_slice %arg2[%add3A_4, %dma_start3A_15] : memref<1024x1024xf32, #tpu.memory_space<hbm>> -> memref<4x1024xf32, #tpu.memory_space<hbm>>
      tpu.enqueue_dma source(%dma_start3A_16 : memref<4x1024xf32, #tpu.memory_space<hbm>>) target(%arg4 : memref<4x1024xf32, #tpu.memory_space<vmem>>) target_semaphore(%run_scoped3A : memref<!tpu.dma_semaphore, #tpu.memory_space<semaphore_mem>>)
      %dma_wait3A = arith.constant 0 : i32
      %dma_wait3A_17 = tpu.memref_slice %arg2[%add3A_4, %dma_wait3A] : memref<1024x1024xf32, #tpu.memory_space<hbm>> -> memref<4x1024xf32, #tpu.memory_space<hbm>>
      %dma_wait3A_18 = arith.constant 0 : i32
      %dma_wait3A_19 = tpu.memref_slice %arg2[%add3A_4, %dma_wait3A_18] : memref<1024x1024xf32, #tpu.memory_space<hbm>> -> memref<4x1024xf32, #tpu.memory_space<hbm>>
      tpu.wait_dma2 semaphore(%run_scoped3A : memref<!tpu.dma_semaphore, #tpu.memory_space<semaphore_mem>>) src(%dma_wait3A_19 : memref<4x1024xf32, #tpu.memory_space<hbm>>) dst(%arg4 : memref<4x1024xf32, #tpu.memory_space<vmem>>)
      tpu.yield
    }) : () -> ()
    %iota3A = tpu.iota {dimensions = array<i32: 0>} : vector<16xi32>
    %broadcast_in_dim3A = arith.constant 0x7F800000 : f32
    %broadcast_in_dim3A_5 = vector.broadcast %broadcast_in_dim3A : f32 to vector<16xf32>
    %broadcast_in_dim3A_6 = arith.constant 0.000000e+00 : f32
    %broadcast_in_dim3A_7 = vector.broadcast %broadcast_in_dim3A_6 : f32 to vector<16xf32>
    %scan3A = arith.constant 0 : i32
    %scan3A_8 = arith.constant 4 : i32
    %scan3A_9 = arith.addi %scan3A, %scan3A_8 : i32
    %scan3A_10 = arith.constant 1 : i32
    %scan3A_11 = scf.for %scan3A_14 = %scan3A to %scan3A_9 step %scan3A_10 iter_args(%scan3A_15 = %broadcast_in_dim3A_7) -> (vector<16xf32>)  : i32 {
      %scan3A_16 = arith.constant 0 : i32
      %scan3A_17 = arith.constant 0 : i32
      %scan3A_18 = arith.constant 64 : i32
      %scan3A_19 = arith.addi %scan3A_17, %scan3A_18 : i32
      %scan3A_20 = arith.constant 1 : i32
      %scan3A_21 = scf.for %scan3A_40 = %scan3A_17 to %scan3A_19 step %scan3A_20 iter_args(%scan3A_41 = %scan3A_16) -> (i32)  : i32 {
        %mul3A_42 = arith.constant 16 : i32
        %mul3A_43 = arith.muli %scan3A_40, %mul3A_42 : i32
        %get3A = arith.index_cast %scan3A_14 : i32 to index
        %get3A_44 = arith.index_cast %mul3A_43 : i32 to index
        %get3A_45 = tpu.vector_load %arg4[%get3A, %get3A_44] {strides = array<i32>} : memref<4x1024xf32, #tpu.memory_space<vmem>>, vector<16xf32>,
        %reduce_min3A = arith.constant true
        %reduce_min3A_46 = vector.broadcast %reduce_min3A : i1 to vector<16xi1>
        %reduce_min3A_47 = tpu.scan <min>, %get3A_45 masked %reduce_min3A_46 : vector<16xf32>, vector<16xi1> -> vector<16xf32>
        %reduce_min3A_48 = vector.extract %reduce_min3A_47[15] : f32 from vector<16xf32>
        %swap3A_49 = arith.index_cast %scan3A_40 : i32 to index
        %swap3A_50 = memref.load %arg6[%swap3A_49] : memref<64xf32, #tpu.memory_space<smem>>
        memref.store %reduce_min3A_48, %arg6[%swap3A_49] : memref<64xf32, #tpu.memory_space<smem>>
        %scan3A_51 = arith.constant 0 : i32
        scf.yield %scan3A_51 : i32
      }
      %scan3A_22 = arith.constant 64 : i32
      %scan3A_23 = arith.constant 0x7F800000 : f32
      %scan3A_24 = arith.constant 0 : i32
      %scan3A_25 = arith.constant 64 : i32
      %scan3A_26 = arith.addi %scan3A_24, %scan3A_25 : i32
      %scan3A_27 = arith.constant 1 : i32
      %scan3A_28:3 = scf.for %scan3A_40 = %scan3A_24 to %scan3A_26 step %scan3A_27 iter_args(%scan3A_41 = %broadcast_in_dim3A_5, %scan3A_42 = %broadcast_in_dim3A_5, %scan3A_43 = %scan3A_23) -> (vector<16xf32>, vector<16xf32>, f32)  : i32 {
        %get3A = arith.index_cast %scan3A_40 : i32 to index
        %get3A_44 = memref.load %arg6[%get3A] : memref<64xf32, #tpu.memory_space<smem>>
        %lt3A_45 = arith.cmpf olt, %get3A_44, %scan3A_43 : f32
        %convert_element_type3A = arith.extui %lt3A_45 : i1 to i32
        %cond3A = arith.constant 0 : i32
        %cond3A_46 = arith.constant 0 : i32
        %cond3A_47 = arith.cmpi ne, %convert_element_type3A, %cond3A_46 : i32
        %cond3A_48:3 = scf.if %cond3A_47 -> (vector<16xf32>, vector<16xf32>, f32) {
          %mul3A_49 = arith.constant 16 : i32
          %mul3A_50 = arith.muli %scan3A_40, %mul3A_49 : i32
          %get3A_51 = arith.index_cast %scan3A_14 : i32 to index
          %get3A_52 = arith.index_cast %mul3A_50 : i32 to index
          %get3A_53 = tpu.vector_load %arg4[%get3A_51, %get3A_52] {strides = array<i32>} : memref<4x1024xf32, #tpu.memory_space<vmem>>, vector<16xf32>,
          %masked_sort3A = arith.constant dense<true> : vector<16xi1>
          %masked_sort3A_54, %masked_sort3A_55, %masked_sort3A_56 = tpu.sort %get3A_53, %get3A_53 masked %masked_sort3A : (vector<16xf32>, vector<16xf32>, vector<16xi1>) -> (vector<16xi1>, vector<16xf32>, vector<16xf32>)
          %rev3A = arith.constant 15 : i32
          %rev3A_57 = vector.broadcast %rev3A : i32 to vector<16xi32>
          %rev3A_58 = tpu.iota {dimensions = array<i32: 0>} : vector<16xi32>
          %rev3A_59 = arith.subi %rev3A_57, %rev3A_58 : vector<16xi32>
          %rev3A_60 = tpu.dynamic_gather %masked_sort3A_55[%rev3A_59] in [0] : vector<16xf32>, vector<16xi32> -> vector<16xf32>
          %min3A = arith.minimumf %scan3A_42, %rev3A_60 : vector<16xf32>
          %masked_sort3A_61 = arith.constant dense<true> : vector<16xi1>
          %masked_sort3A_62, %masked_sort3A_63, %masked_sort3A_64 = tpu.sort %min3A, %min3A masked %masked_sort3A_61 : (vector<16xf32>, vector<16xf32>, vector<16xi1>) -> (vector<16xi1>, vector<16xf32>, vector<16xf32>)
          %rev3A_65 = arith.constant 15 : i32
          %rev3A_66 = vector.broadcast %rev3A_65 : i32 to vector<16xi32>
          %rev3A_67 = tpu.iota {dimensions = array<i32: 0>} : vector<16xi32>
          %rev3A_68 = arith.subi %rev3A_66, %rev3A_67 : vector<16xi32>
          %rev3A_69 = tpu.dynamic_gather %masked_sort3A_55[%rev3A_68] in [0] : vector<16xf32>, vector<16xi32> -> vector<16xf32>
          %max3A = arith.maximumf %scan3A_42, %rev3A_69 : vector<16xf32>
          %masked_sort3A_70 = arith.constant dense<true> : vector<16xi1>
          %masked_sort3A_71, %masked_sort3A_72, %masked_sort3A_73 = tpu.sort %max3A, %max3A masked %masked_sort3A_70 : (vector<16xf32>, vector<16xf32>, vector<16xi1>) -> (vector<16xi1>, vector<16xf32>, vector<16xf32>)
          %rev3A_74 = arith.constant 15 : i32
          %rev3A_75 = vector.broadcast %rev3A_74 : i32 to vector<16xi32>
          %rev3A_76 = tpu.iota {dimensions = array<i32: 0>} : vector<16xi32>
          %rev3A_77 = arith.subi %rev3A_75, %rev3A_76 : vector<16xi32>
          %rev3A_78 = tpu.dynamic_gather %masked_sort3A_63[%rev3A_77] in [0] : vector<16xf32>, vector<16xi32> -> vector<16xf32>
          %min3A_79 = arith.minimumf %scan3A_41, %rev3A_78 : vector<16xf32>
          %masked_sort3A_80 = arith.constant dense<true> : vector<16xi1>
          %masked_sort3A_81, %masked_sort3A_82, %masked_sort3A_83 = tpu.sort %min3A_79, %min3A_79 masked %masked_sort3A_80 : (vector<16xf32>, vector<16xf32>, vector<16xi1>) -> (vector<16xi1>, vector<16xf32>, vector<16xf32>)
          %rev3A_84 = arith.constant 15 : i32
          %rev3A_85 = vector.broadcast %rev3A_84 : i32 to vector<16xi32>
          %rev3A_86 = tpu.iota {dimensions = array<i32: 0>} : vector<16xi32>
          %rev3A_87 = arith.subi %rev3A_85, %rev3A_86 : vector<16xi32>
          %rev3A_88 = tpu.dynamic_gather %masked_sort3A_63[%rev3A_87] in [0] : vector<16xf32>, vector<16xi32> -> vector<16xf32>
          %max3A_89 = arith.maximumf %scan3A_41, %rev3A_88 : vector<16xf32>
          %masked_sort3A_90 = arith.constant dense<true> : vector<16xi1>
          %masked_sort3A_91, %masked_sort3A_92, %masked_sort3A_93 = tpu.sort %max3A_89, %max3A_89 masked %masked_sort3A_90 : (vector<16xf32>, vector<16xf32>, vector<16xi1>) -> (vector<16xi1>, vector<16xf32>, vector<16xf32>)
          %rev3A_94 = arith.constant 15 : i32
          %rev3A_95 = vector.broadcast %rev3A_94 : i32 to vector<16xi32>
          %rev3A_96 = tpu.iota {dimensions = array<i32: 0>} : vector<16xi32>
          %rev3A_97 = arith.subi %rev3A_95, %rev3A_96 : vector<16xi32>
          %rev3A_98 = tpu.dynamic_gather %masked_sort3A_72[%rev3A_97] in [0] : vector<16xf32>, vector<16xi32> -> vector<16xf32>
          %min3A_99 = arith.minimumf %masked_sort3A_92, %rev3A_98 : vector<16xf32>
          %masked_sort3A_100 = arith.constant dense<true> : vector<16xi1>
          %masked_sort3A_101, %masked_sort3A_102, %masked_sort3A_103 = tpu.sort %min3A_99, %min3A_99 masked %masked_sort3A_100 : (vector<16xf32>, vector<16xf32>, vector<16xi1>) -> (vector<16xi1>, vector<16xf32>, vector<16xf32>)
          %reduce_max3A = arith.constant true
          %reduce_max3A_104 = vector.broadcast %reduce_max3A : i1 to vector<16xi1>
          %reduce_max3A_105 = tpu.scan <max>, %masked_sort3A_102 masked %reduce_max3A_104 : vector<16xf32>, vector<16xi1> -> vector<16xf32>
          %reduce_max3A_106 = vector.extract %reduce_max3A_105[15] : f32 from vector<16xf32>
          scf.yield %masked_sort3A_82, %masked_sort3A_102, %reduce_max3A_106 : vector<16xf32>, vector<16xf32>, f32
        } else {
          scf.yield %scan3A_41, %scan3A_42, %scan3A_43 : vector<16xf32>, vector<16xf32>, f32
        }
        scf.yield %cond3A_48#0, %cond3A_48#1, %cond3A_48#2 : vector<16xf32>, vector<16xf32>, f32
      }
      %scan3A_29 = arith.constant 64 : i32
      %lt3A = arith.constant 9 : i32
      %lt3A_30 = vector.broadcast %lt3A : i32 to vector<16xi32>
      %lt3A_31 = arith.cmpi slt, %iota3A, %lt3A_30 : vector<16xi32>
      %jit3A = arith.constant 0.000000e+00 : f32
      %broadcast_in_dim3A_32 = vector.broadcast %jit3A : f32 to vector<16xf32>
      %select_n3A = arith.select %lt3A_31, %scan3A_28#1, %broadcast_in_dim3A_32 : vector<16xi1>, vector<16xf32>
      %add3A_33 = arith.addf %scan3A_28#0, %select_n3A : vector<16xf32>
      %reduce_sum3A = arith.constant true
      %reduce_sum3A_34 = vector.broadcast %reduce_sum3A : i1 to vector<16xi1>
      %reduce_sum3A_35 = tpu.scan <sum>, %add3A_33 masked %reduce_sum3A_34 : vector<16xf32>, vector<16xi1> -> vector<16xf32>
      %reduce_sum3A_36 = vector.extract %reduce_sum3A_35[15] : f32 from vector<16xf32>
      %eq3A = vector.broadcast %scan3A_14 : i32 to vector<16xi32>
      %eq3A_37 = arith.cmpi eq, %iota3A, %eq3A : vector<16xi32>
      %broadcast_in_dim3A_38 = vector.broadcast %reduce_sum3A_36 : f32 to vector<16xf32>
      %select_n3A_39 = arith.select %eq3A_37, %broadcast_in_dim3A_38, %scan3A_15 : vector<16xi1>, vector<16xf32>
      scf.yield %select_n3A_39 : vector<16xf32>
    }
    %scan3A_12 = arith.constant 4 : i32
    %swap3A = arith.constant 0 : index
    %swap3A_13 = tpu.vector_load %arg5[%swap3A] {strides = array<i32>} : memref<16xf32, #tpu.memory_space<vmem>>, vector<16xf32>,
    tpu.vector_store %arg5[%swap3A], %scan3A_11 {strides = array<i32>} : memref<16xf32, #tpu.memory_space<vmem>>, vector<16xf32>,
    "tpu.region"() ({
      %run_scoped3A = tpu.sem_alloc : memref<!tpu.dma_semaphore, #tpu.memory_space<semaphore_mem>>
      %dma_start3A = arith.constant 0 : i32
      %dma_start3A_14 = tpu.memref_slice %arg3[%add3A, %dma_start3A] : memref<32x16xf32, #tpu.memory_space<hbm>> -> memref<1x16xf32, #tpu.memory_space<hbm>>
      %dma_start3A_15 = tpu.memref_squeeze %dma_start3A_14 : memref<1x16xf32, #tpu.memory_space<hbm>> -> memref<16xf32, #tpu.memory_space<hbm>>
      %dma_start3A_16 = arith.constant 0 : i32
      %dma_start3A_17 = tpu.memref_slice %arg3[%add3A, %dma_start3A_16] : memref<32x16xf32, #tpu.memory_space<hbm>> -> memref<1x16xf32, #tpu.memory_space<hbm>>
      %dma_start3A_18 = tpu.memref_squeeze %dma_start3A_17 : memref<1x16xf32, #tpu.memory_space<hbm>> -> memref<16xf32, #tpu.memory_space<hbm>>
      tpu.enqueue_dma source(%arg5 : memref<16xf32, #tpu.memory_space<vmem>>) target(%dma_start3A_18 : memref<16xf32, #tpu.memory_space<hbm>>) target_semaphore(%run_scoped3A : memref<!tpu.dma_semaphore, #tpu.memory_space<semaphore_mem>>)
      %dma_wait3A = arith.constant 0 : i32
      %dma_wait3A_19 = tpu.memref_slice %arg3[%add3A, %dma_wait3A] : memref<32x16xf32, #tpu.memory_space<hbm>> -> memref<1x16xf32, #tpu.memory_space<hbm>>
      %dma_wait3A_20 = tpu.memref_squeeze %dma_wait3A_19 : memref<1x16xf32, #tpu.memory_space<hbm>> -> memref<16xf32, #tpu.memory_space<hbm>>
      %dma_wait3A_21 = arith.constant 0 : i32
      %dma_wait3A_22 = tpu.memref_slice %arg3[%add3A, %dma_wait3A_21] : memref<32x16xf32, #tpu.memory_space<hbm>> -> memref<1x16xf32, #tpu.memory_space<hbm>>
      %dma_wait3A_23 = tpu.memref_squeeze %dma_wait3A_22 : memref<1x16xf32, #tpu.memory_space<hbm>> -> memref<16xf32, #tpu.memory_space<hbm>>
      tpu.wait_dma2 semaphore(%run_scoped3A : memref<!tpu.dma_semaphore, #tpu.memory_space<semaphore_mem>>) src(%arg5 : memref<16xf32, #tpu.memory_space<vmem>>) dst(%dma_wait3A_23 : memref<16xf32, #tpu.memory_space<hbm>>)
      tpu.yield
    }) : () -> ()
    return
  }
}

module attributes {stable_mosaic.version = 14 : i64} {
  func.func @_topk_tc_body(%arg0: i32, %arg1: memref<128x1024xf32, #tpu.memory_space<vmem>>, %arg2: memref<1x1xf32, #tpu.memory_space<vmem>>) attributes {dimension_semantics = [#tpu.dimension_semantics<arbitrary>], iteration_bounds = array<i64: 7>, scalar_prefetch = 0 : i64, scratch_operands = 0 : i64, tpu.core_type = #tpu.core_type<tc>, window_params = [{transform_indices = @transform_0, window_bounds = array<i64: 128, 1024>}, {pipeline_mode = #tpu.pipeline_mode<synchronous>, transform_indices = @transform_1, window_bounds = array<i64: 1, 1>}]} {
    %get3A = arith.constant 0 : index
    %get3A_0 = arith.constant 0 : index
    %get3A_1 = vector.load %arg1[%get3A, %get3A_0] : memref<128x1024xf32, #tpu.memory_space<vmem>>, vector<128x1024xf32>
    %iota3A = tpu.iota {dimensions = array<i32: 1>} : vector<128x1024xi32>
    %broadcast_in_dim3A = arith.constant 0.000000e+00 : f32
    %broadcast_in_dim3A_2 = vector.broadcast %broadcast_in_dim3A : f32 to vector<128x1xf32>
    %reduce_min3A = arith.constant dense<0x7F800000> : vector<128xf32>
    %reduce_min3A_3 = vector.multi_reduction <minimumf>, %get3A_1, %reduce_min3A [1] : vector<128x1024xf32> to vector<128xf32>
    %broadcast_in_dim3A_4 = vector.shape_cast %reduce_min3A_3 : vector<128xf32> to vector<128x1xf32>
    %add3A = arith.addf %broadcast_in_dim3A_2, %broadcast_in_dim3A_4 : vector<128x1xf32>
    %eq3A = vector.broadcast %broadcast_in_dim3A_4 : vector<128x1xf32> to vector<128x1024xf32>
    %eq3A_5 = arith.cmpf oeq, %get3A_1, %eq3A : vector<128x1024xf32>
    %jit3A = arith.constant 1024 : i32
    %broadcast_in_dim3A_6 = vector.broadcast %jit3A : i32 to vector<128x1024xi32>
    %select_n3A = arith.select %eq3A_5, %iota3A, %broadcast_in_dim3A_6 : vector<128x1024xi1>, vector<128x1024xi32>
    %reduce_min3A_7 = arith.constant dense<2147483647> : vector<128xi32>
    %reduce_min3A_8 = vector.multi_reduction <minsi>, %select_n3A, %reduce_min3A_7 [1] : vector<128x1024xi32> to vector<128xi32>
    %broadcast_in_dim3A_9 = vector.shape_cast %reduce_min3A_8 : vector<128xi32> to vector<128x1xi32>
    %eq3A_10 = vector.broadcast %broadcast_in_dim3A_9 : vector<128x1xi32> to vector<128x1024xi32>
    %eq3A_11 = arith.cmpi eq, %iota3A, %eq3A_10 : vector<128x1024xi32>
    %jit3A_12 = arith.constant 0x7F800000 : f32
    %broadcast_in_dim3A_13 = vector.broadcast %jit3A_12 : f32 to vector<128x1024xf32>
    %select_n3A_14 = arith.select %eq3A_11, %broadcast_in_dim3A_13, %get3A_1 : vector<128x1024xi1>, vector<128x1024xf32>
    %reduce_min3A_15 = arith.constant dense<0x7F800000> : vector<128xf32>
    %reduce_min3A_16 = vector.multi_reduction <minimumf>, %select_n3A_14, %reduce_min3A_15 [1] : vector<128x1024xf32> to vector<128xf32>
    %broadcast_in_dim3A_17 = vector.shape_cast %reduce_min3A_16 : vector<128xf32> to vector<128x1xf32>
    %add3A_18 = arith.addf %add3A, %broadcast_in_dim3A_17 : vector<128x1xf32>
    %eq3A_19 = vector.broadcast %broadcast_in_dim3A_17 : vector<128x1xf32> to vector<128x1024xf32>
    %eq3A_20 = arith.cmpf oeq, %select_n3A_14, %eq3A_19 : vector<128x1024xf32>
    %jit3A_21 = arith.constant 1024 : i32
    %broadcast_in_dim3A_22 = vector.broadcast %jit3A_21 : i32 to vector<128x1024xi32>
    %select_n3A_23 = arith.select %eq3A_20, %iota3A, %broadcast_in_dim3A_22 : vector<128x1024xi1>, vector<128x1024xi32>
    %reduce_min3A_24 = arith.constant dense<2147483647> : vector<128xi32>
    %reduce_min3A_25 = vector.multi_reduction <minsi>, %select_n3A_23, %reduce_min3A_24 [1] : vector<128x1024xi32> to vector<128xi32>
    %broadcast_in_dim3A_26 = vector.shape_cast %reduce_min3A_25 : vector<128xi32> to vector<128x1xi32>
    %eq3A_27 = vector.broadcast %broadcast_in_dim3A_26 : vector<128x1xi32> to vector<128x1024xi32>
    %eq3A_28 = arith.cmpi eq, %iota3A, %eq3A_27 : vector<128x1024xi32>
    %jit3A_29 = arith.constant 0x7F800000 : f32
    %broadcast_in_dim3A_30 = vector.broadcast %jit3A_29 : f32 to vector<128x1024xf32>
    %select_n3A_31 = arith.select %eq3A_28, %broadcast_in_dim3A_30, %select_n3A_14 : vector<128x1024xi1>, vector<128x1024xf32>
    %reduce_min3A_32 = arith.constant dense<0x7F800000> : vector<128xf32>
    %reduce_min3A_33 = vector.multi_reduction <minimumf>, %select_n3A_31, %reduce_min3A_32 [1] : vector<128x1024xf32> to vector<128xf32>
    %broadcast_in_dim3A_34 = vector.shape_cast %reduce_min3A_33 : vector<128xf32> to vector<128x1xf32>
    %add3A_35 = arith.addf %add3A_18, %broadcast_in_dim3A_34 : vector<128x1xf32>
    %eq3A_36 = vector.broadcast %broadcast_in_dim3A_34 : vector<128x1xf32> to vector<128x1024xf32>
    %eq3A_37 = arith.cmpf oeq, %select_n3A_31, %eq3A_36 : vector<128x1024xf32>
    %jit3A_38 = arith.constant 1024 : i32
    %broadcast_in_dim3A_39 = vector.broadcast %jit3A_38 : i32 to vector<128x1024xi32>
    %select_n3A_40 = arith.select %eq3A_37, %iota3A, %broadcast_in_dim3A_39 : vector<128x1024xi1>, vector<128x1024xi32>
    %reduce_min3A_41 = arith.constant dense<2147483647> : vector<128xi32>
    %reduce_min3A_42 = vector.multi_reduction <minsi>, %select_n3A_40, %reduce_min3A_41 [1] : vector<128x1024xi32> to vector<128xi32>
    %broadcast_in_dim3A_43 = vector.shape_cast %reduce_min3A_42 : vector<128xi32> to vector<128x1xi32>
    %eq3A_44 = vector.broadcast %broadcast_in_dim3A_43 : vector<128x1xi32> to vector<128x1024xi32>
    %eq3A_45 = arith.cmpi eq, %iota3A, %eq3A_44 : vector<128x1024xi32>
    %jit3A_46 = arith.constant 0x7F800000 : f32
    %broadcast_in_dim3A_47 = vector.broadcast %jit3A_46 : f32 to vector<128x1024xf32>
    %select_n3A_48 = arith.select %eq3A_45, %broadcast_in_dim3A_47, %select_n3A_31 : vector<128x1024xi1>, vector<128x1024xf32>
    %reduce_min3A_49 = arith.constant dense<0x7F800000> : vector<128xf32>
    %reduce_min3A_50 = vector.multi_reduction <minimumf>, %select_n3A_48, %reduce_min3A_49 [1] : vector<128x1024xf32> to vector<128xf32>
    %broadcast_in_dim3A_51 = vector.shape_cast %reduce_min3A_50 : vector<128xf32> to vector<128x1xf32>
    %add3A_52 = arith.addf %add3A_35, %broadcast_in_dim3A_51 : vector<128x1xf32>
    %eq3A_53 = vector.broadcast %broadcast_in_dim3A_51 : vector<128x1xf32> to vector<128x1024xf32>
    %eq3A_54 = arith.cmpf oeq, %select_n3A_48, %eq3A_53 : vector<128x1024xf32>
    %jit3A_55 = arith.constant 1024 : i32
    %broadcast_in_dim3A_56 = vector.broadcast %jit3A_55 : i32 to vector<128x1024xi32>
    %select_n3A_57 = arith.select %eq3A_54, %iota3A, %broadcast_in_dim3A_56 : vector<128x1024xi1>, vector<128x1024xi32>
    %reduce_min3A_58 = arith.constant dense<2147483647> : vector<128xi32>
    %reduce_min3A_59 = vector.multi_reduction <minsi>, %select_n3A_57, %reduce_min3A_58 [1] : vector<128x1024xi32> to vector<128xi32>
    %broadcast_in_dim3A_60 = vector.shape_cast %reduce_min3A_59 : vector<128xi32> to vector<128x1xi32>
    %eq3A_61 = vector.broadcast %broadcast_in_dim3A_60 : vector<128x1xi32> to vector<128x1024xi32>
    %eq3A_62 = arith.cmpi eq, %iota3A, %eq3A_61 : vector<128x1024xi32>
    %jit3A_63 = arith.constant 0x7F800000 : f32
    %broadcast_in_dim3A_64 = vector.broadcast %jit3A_63 : f32 to vector<128x1024xf32>
    %select_n3A_65 = arith.select %eq3A_62, %broadcast_in_dim3A_64, %select_n3A_48 : vector<128x1024xi1>, vector<128x1024xf32>
    %reduce_min3A_66 = arith.constant dense<0x7F800000> : vector<128xf32>
    %reduce_min3A_67 = vector.multi_reduction <minimumf>, %select_n3A_65, %reduce_min3A_66 [1] : vector<128x1024xf32> to vector<128xf32>
    %broadcast_in_dim3A_68 = vector.shape_cast %reduce_min3A_67 : vector<128xf32> to vector<128x1xf32>
    %add3A_69 = arith.addf %add3A_52, %broadcast_in_dim3A_68 : vector<128x1xf32>
    %eq3A_70 = vector.broadcast %broadcast_in_dim3A_68 : vector<128x1xf32> to vector<128x1024xf32>
    %eq3A_71 = arith.cmpf oeq, %select_n3A_65, %eq3A_70 : vector<128x1024xf32>
    %jit3A_72 = arith.constant 1024 : i32
    %broadcast_in_dim3A_73 = vector.broadcast %jit3A_72 : i32 to vector<128x1024xi32>
    %select_n3A_74 = arith.select %eq3A_71, %iota3A, %broadcast_in_dim3A_73 : vector<128x1024xi1>, vector<128x1024xi32>
    %reduce_min3A_75 = arith.constant dense<2147483647> : vector<128xi32>
    %reduce_min3A_76 = vector.multi_reduction <minsi>, %select_n3A_74, %reduce_min3A_75 [1] : vector<128x1024xi32> to vector<128xi32>
    %broadcast_in_dim3A_77 = vector.shape_cast %reduce_min3A_76 : vector<128xi32> to vector<128x1xi32>
    %eq3A_78 = vector.broadcast %broadcast_in_dim3A_77 : vector<128x1xi32> to vector<128x1024xi32>
    %eq3A_79 = arith.cmpi eq, %iota3A, %eq3A_78 : vector<128x1024xi32>
    %jit3A_80 = arith.constant 0x7F800000 : f32
    %broadcast_in_dim3A_81 = vector.broadcast %jit3A_80 : f32 to vector<128x1024xf32>
    %select_n3A_82 = arith.select %eq3A_79, %broadcast_in_dim3A_81, %select_n3A_65 : vector<128x1024xi1>, vector<128x1024xf32>
    %reduce_min3A_83 = arith.constant dense<0x7F800000> : vector<128xf32>
    %reduce_min3A_84 = vector.multi_reduction <minimumf>, %select_n3A_82, %reduce_min3A_83 [1] : vector<128x1024xf32> to vector<128xf32>
    %broadcast_in_dim3A_85 = vector.shape_cast %reduce_min3A_84 : vector<128xf32> to vector<128x1xf32>
    %add3A_86 = arith.addf %add3A_69, %broadcast_in_dim3A_85 : vector<128x1xf32>
    %eq3A_87 = vector.broadcast %broadcast_in_dim3A_85 : vector<128x1xf32> to vector<128x1024xf32>
    %eq3A_88 = arith.cmpf oeq, %select_n3A_82, %eq3A_87 : vector<128x1024xf32>
    %jit3A_89 = arith.constant 1024 : i32
    %broadcast_in_dim3A_90 = vector.broadcast %jit3A_89 : i32 to vector<128x1024xi32>
    %select_n3A_91 = arith.select %eq3A_88, %iota3A, %broadcast_in_dim3A_90 : vector<128x1024xi1>, vector<128x1024xi32>
    %reduce_min3A_92 = arith.constant dense<2147483647> : vector<128xi32>
    %reduce_min3A_93 = vector.multi_reduction <minsi>, %select_n3A_91, %reduce_min3A_92 [1] : vector<128x1024xi32> to vector<128xi32>
    %broadcast_in_dim3A_94 = vector.shape_cast %reduce_min3A_93 : vector<128xi32> to vector<128x1xi32>
    %eq3A_95 = vector.broadcast %broadcast_in_dim3A_94 : vector<128x1xi32> to vector<128x1024xi32>
    %eq3A_96 = arith.cmpi eq, %iota3A, %eq3A_95 : vector<128x1024xi32>
    %jit3A_97 = arith.constant 0x7F800000 : f32
    %broadcast_in_dim3A_98 = vector.broadcast %jit3A_97 : f32 to vector<128x1024xf32>
    %select_n3A_99 = arith.select %eq3A_96, %broadcast_in_dim3A_98, %select_n3A_82 : vector<128x1024xi1>, vector<128x1024xf32>
    %reduce_min3A_100 = arith.constant dense<0x7F800000> : vector<128xf32>
    %reduce_min3A_101 = vector.multi_reduction <minimumf>, %select_n3A_99, %reduce_min3A_100 [1] : vector<128x1024xf32> to vector<128xf32>
    %broadcast_in_dim3A_102 = vector.shape_cast %reduce_min3A_101 : vector<128xf32> to vector<128x1xf32>
    %add3A_103 = arith.addf %add3A_86, %broadcast_in_dim3A_102 : vector<128x1xf32>
    %eq3A_104 = vector.broadcast %broadcast_in_dim3A_102 : vector<128x1xf32> to vector<128x1024xf32>
    %eq3A_105 = arith.cmpf oeq, %select_n3A_99, %eq3A_104 : vector<128x1024xf32>
    %jit3A_106 = arith.constant 1024 : i32
    %broadcast_in_dim3A_107 = vector.broadcast %jit3A_106 : i32 to vector<128x1024xi32>
    %select_n3A_108 = arith.select %eq3A_105, %iota3A, %broadcast_in_dim3A_107 : vector<128x1024xi1>, vector<128x1024xi32>
    %reduce_min3A_109 = arith.constant dense<2147483647> : vector<128xi32>
    %reduce_min3A_110 = vector.multi_reduction <minsi>, %select_n3A_108, %reduce_min3A_109 [1] : vector<128x1024xi32> to vector<128xi32>
    %broadcast_in_dim3A_111 = vector.shape_cast %reduce_min3A_110 : vector<128xi32> to vector<128x1xi32>
    %eq3A_112 = vector.broadcast %broadcast_in_dim3A_111 : vector<128x1xi32> to vector<128x1024xi32>
    %eq3A_113 = arith.cmpi eq, %iota3A, %eq3A_112 : vector<128x1024xi32>
    %jit3A_114 = arith.constant 0x7F800000 : f32
    %broadcast_in_dim3A_115 = vector.broadcast %jit3A_114 : f32 to vector<128x1024xf32>
    %select_n3A_116 = arith.select %eq3A_113, %broadcast_in_dim3A_115, %select_n3A_99 : vector<128x1024xi1>, vector<128x1024xf32>
    %reduce_min3A_117 = arith.constant dense<0x7F800000> : vector<128xf32>
    %reduce_min3A_118 = vector.multi_reduction <minimumf>, %select_n3A_116, %reduce_min3A_117 [1] : vector<128x1024xf32> to vector<128xf32>
    %broadcast_in_dim3A_119 = vector.shape_cast %reduce_min3A_118 : vector<128xf32> to vector<128x1xf32>
    %add3A_120 = arith.addf %add3A_103, %broadcast_in_dim3A_119 : vector<128x1xf32>
    %eq3A_121 = vector.broadcast %broadcast_in_dim3A_119 : vector<128x1xf32> to vector<128x1024xf32>
    %eq3A_122 = arith.cmpf oeq, %select_n3A_116, %eq3A_121 : vector<128x1024xf32>
    %jit3A_123 = arith.constant 1024 : i32
    %broadcast_in_dim3A_124 = vector.broadcast %jit3A_123 : i32 to vector<128x1024xi32>
    %select_n3A_125 = arith.select %eq3A_122, %iota3A, %broadcast_in_dim3A_124 : vector<128x1024xi1>, vector<128x1024xi32>
    %reduce_min3A_126 = arith.constant dense<2147483647> : vector<128xi32>
    %reduce_min3A_127 = vector.multi_reduction <minsi>, %select_n3A_125, %reduce_min3A_126 [1] : vector<128x1024xi32> to vector<128xi32>
    %broadcast_in_dim3A_128 = vector.shape_cast %reduce_min3A_127 : vector<128xi32> to vector<128x1xi32>
    %eq3A_129 = vector.broadcast %broadcast_in_dim3A_128 : vector<128x1xi32> to vector<128x1024xi32>
    %eq3A_130 = arith.cmpi eq, %iota3A, %eq3A_129 : vector<128x1024xi32>
    %jit3A_131 = arith.constant 0x7F800000 : f32
    %broadcast_in_dim3A_132 = vector.broadcast %jit3A_131 : f32 to vector<128x1024xf32>
    %select_n3A_133 = arith.select %eq3A_130, %broadcast_in_dim3A_132, %select_n3A_116 : vector<128x1024xi1>, vector<128x1024xf32>
    %reduce_min3A_134 = arith.constant dense<0x7F800000> : vector<128xf32>
    %reduce_min3A_135 = vector.multi_reduction <minimumf>, %select_n3A_133, %reduce_min3A_134 [1] : vector<128x1024xf32> to vector<128xf32>
    %broadcast_in_dim3A_136 = vector.shape_cast %reduce_min3A_135 : vector<128xf32> to vector<128x1xf32>
    %add3A_137 = arith.addf %add3A_120, %broadcast_in_dim3A_136 : vector<128x1xf32>
    %eq3A_138 = vector.broadcast %broadcast_in_dim3A_136 : vector<128x1xf32> to vector<128x1024xf32>
    %eq3A_139 = arith.cmpf oeq, %select_n3A_133, %eq3A_138 : vector<128x1024xf32>
    %jit3A_140 = arith.constant 1024 : i32
    %broadcast_in_dim3A_141 = vector.broadcast %jit3A_140 : i32 to vector<128x1024xi32>
    %select_n3A_142 = arith.select %eq3A_139, %iota3A, %broadcast_in_dim3A_141 : vector<128x1024xi1>, vector<128x1024xi32>
    %reduce_min3A_143 = arith.constant dense<2147483647> : vector<128xi32>
    %reduce_min3A_144 = vector.multi_reduction <minsi>, %select_n3A_142, %reduce_min3A_143 [1] : vector<128x1024xi32> to vector<128xi32>
    %broadcast_in_dim3A_145 = vector.shape_cast %reduce_min3A_144 : vector<128xi32> to vector<128x1xi32>
    %eq3A_146 = vector.broadcast %broadcast_in_dim3A_145 : vector<128x1xi32> to vector<128x1024xi32>
    %eq3A_147 = arith.cmpi eq, %iota3A, %eq3A_146 : vector<128x1024xi32>
    %jit3A_148 = arith.constant 0x7F800000 : f32
    %broadcast_in_dim3A_149 = vector.broadcast %jit3A_148 : f32 to vector<128x1024xf32>
    %select_n3A_150 = arith.select %eq3A_147, %broadcast_in_dim3A_149, %select_n3A_133 : vector<128x1024xi1>, vector<128x1024xf32>
    %reduce_min3A_151 = arith.constant dense<0x7F800000> : vector<128xf32>
    %reduce_min3A_152 = vector.multi_reduction <minimumf>, %select_n3A_150, %reduce_min3A_151 [1] : vector<128x1024xf32> to vector<128xf32>
    %broadcast_in_dim3A_153 = vector.shape_cast %reduce_min3A_152 : vector<128xf32> to vector<128x1xf32>
    %add3A_154 = arith.addf %add3A_137, %broadcast_in_dim3A_153 : vector<128x1xf32>
    %eq3A_155 = vector.broadcast %broadcast_in_dim3A_153 : vector<128x1xf32> to vector<128x1024xf32>
    %eq3A_156 = arith.cmpf oeq, %select_n3A_150, %eq3A_155 : vector<128x1024xf32>
    %jit3A_157 = arith.constant 1024 : i32
    %broadcast_in_dim3A_158 = vector.broadcast %jit3A_157 : i32 to vector<128x1024xi32>
    %select_n3A_159 = arith.select %eq3A_156, %iota3A, %broadcast_in_dim3A_158 : vector<128x1024xi1>, vector<128x1024xi32>
    %reduce_min3A_160 = arith.constant dense<2147483647> : vector<128xi32>
    %reduce_min3A_161 = vector.multi_reduction <minsi>, %select_n3A_159, %reduce_min3A_160 [1] : vector<128x1024xi32> to vector<128xi32>
    %broadcast_in_dim3A_162 = vector.shape_cast %reduce_min3A_161 : vector<128xi32> to vector<128x1xi32>
    %eq3A_163 = vector.broadcast %broadcast_in_dim3A_162 : vector<128x1xi32> to vector<128x1024xi32>
    %eq3A_164 = arith.cmpi eq, %iota3A, %eq3A_163 : vector<128x1024xi32>
    %jit3A_165 = arith.constant 0x7F800000 : f32
    %broadcast_in_dim3A_166 = vector.broadcast %jit3A_165 : f32 to vector<128x1024xf32>
    %select_n3A_167 = arith.select %eq3A_164, %broadcast_in_dim3A_166, %select_n3A_150 : vector<128x1024xi1>, vector<128x1024xf32>
    %reduce_min3A_168 = arith.constant dense<0x7F800000> : vector<128xf32>
    %reduce_min3A_169 = vector.multi_reduction <minimumf>, %select_n3A_167, %reduce_min3A_168 [1] : vector<128x1024xf32> to vector<128xf32>
    %broadcast_in_dim3A_170 = vector.shape_cast %reduce_min3A_169 : vector<128xf32> to vector<128x1xf32>
    %add3A_171 = arith.addf %add3A_154, %broadcast_in_dim3A_170 : vector<128x1xf32>
    %eq3A_172 = vector.broadcast %broadcast_in_dim3A_170 : vector<128x1xf32> to vector<128x1024xf32>
    %eq3A_173 = arith.cmpf oeq, %select_n3A_167, %eq3A_172 : vector<128x1024xf32>
    %jit3A_174 = arith.constant 1024 : i32
    %broadcast_in_dim3A_175 = vector.broadcast %jit3A_174 : i32 to vector<128x1024xi32>
    %select_n3A_176 = arith.select %eq3A_173, %iota3A, %broadcast_in_dim3A_175 : vector<128x1024xi1>, vector<128x1024xi32>
    %reduce_min3A_177 = arith.constant dense<2147483647> : vector<128xi32>
    %reduce_min3A_178 = vector.multi_reduction <minsi>, %select_n3A_176, %reduce_min3A_177 [1] : vector<128x1024xi32> to vector<128xi32>
    %broadcast_in_dim3A_179 = vector.shape_cast %reduce_min3A_178 : vector<128xi32> to vector<128x1xi32>
    %eq3A_180 = vector.broadcast %broadcast_in_dim3A_179 : vector<128x1xi32> to vector<128x1024xi32>
    %eq3A_181 = arith.cmpi eq, %iota3A, %eq3A_180 : vector<128x1024xi32>
    %jit3A_182 = arith.constant 0x7F800000 : f32
    %broadcast_in_dim3A_183 = vector.broadcast %jit3A_182 : f32 to vector<128x1024xf32>
    %select_n3A_184 = arith.select %eq3A_181, %broadcast_in_dim3A_183, %select_n3A_167 : vector<128x1024xi1>, vector<128x1024xf32>
    %reduce_min3A_185 = arith.constant dense<0x7F800000> : vector<128xf32>
    %reduce_min3A_186 = vector.multi_reduction <minimumf>, %select_n3A_184, %reduce_min3A_185 [1] : vector<128x1024xf32> to vector<128xf32>
    %broadcast_in_dim3A_187 = vector.shape_cast %reduce_min3A_186 : vector<128xf32> to vector<128x1xf32>
    %add3A_188 = arith.addf %add3A_171, %broadcast_in_dim3A_187 : vector<128x1xf32>
    %eq3A_189 = vector.broadcast %broadcast_in_dim3A_187 : vector<128x1xf32> to vector<128x1024xf32>
    %eq3A_190 = arith.cmpf oeq, %select_n3A_184, %eq3A_189 : vector<128x1024xf32>
    %jit3A_191 = arith.constant 1024 : i32
    %broadcast_in_dim3A_192 = vector.broadcast %jit3A_191 : i32 to vector<128x1024xi32>
    %select_n3A_193 = arith.select %eq3A_190, %iota3A, %broadcast_in_dim3A_192 : vector<128x1024xi1>, vector<128x1024xi32>
    %reduce_min3A_194 = arith.constant dense<2147483647> : vector<128xi32>
    %reduce_min3A_195 = vector.multi_reduction <minsi>, %select_n3A_193, %reduce_min3A_194 [1] : vector<128x1024xi32> to vector<128xi32>
    %broadcast_in_dim3A_196 = vector.shape_cast %reduce_min3A_195 : vector<128xi32> to vector<128x1xi32>
    %eq3A_197 = vector.broadcast %broadcast_in_dim3A_196 : vector<128x1xi32> to vector<128x1024xi32>
    %eq3A_198 = arith.cmpi eq, %iota3A, %eq3A_197 : vector<128x1024xi32>
    %jit3A_199 = arith.constant 0x7F800000 : f32
    %broadcast_in_dim3A_200 = vector.broadcast %jit3A_199 : f32 to vector<128x1024xf32>
    %select_n3A_201 = arith.select %eq3A_198, %broadcast_in_dim3A_200, %select_n3A_184 : vector<128x1024xi1>, vector<128x1024xf32>
    %reduce_min3A_202 = arith.constant dense<0x7F800000> : vector<128xf32>
    %reduce_min3A_203 = vector.multi_reduction <minimumf>, %select_n3A_201, %reduce_min3A_202 [1] : vector<128x1024xf32> to vector<128xf32>
    %broadcast_in_dim3A_204 = vector.shape_cast %reduce_min3A_203 : vector<128xf32> to vector<128x1xf32>
    %add3A_205 = arith.addf %add3A_188, %broadcast_in_dim3A_204 : vector<128x1xf32>
    %eq3A_206 = vector.broadcast %broadcast_in_dim3A_204 : vector<128x1xf32> to vector<128x1024xf32>
    %eq3A_207 = arith.cmpf oeq, %select_n3A_201, %eq3A_206 : vector<128x1024xf32>
    %jit3A_208 = arith.constant 1024 : i32
    %broadcast_in_dim3A_209 = vector.broadcast %jit3A_208 : i32 to vector<128x1024xi32>
    %select_n3A_210 = arith.select %eq3A_207, %iota3A, %broadcast_in_dim3A_209 : vector<128x1024xi1>, vector<128x1024xi32>
    %reduce_min3A_211 = arith.constant dense<2147483647> : vector<128xi32>
    %reduce_min3A_212 = vector.multi_reduction <minsi>, %select_n3A_210, %reduce_min3A_211 [1] : vector<128x1024xi32> to vector<128xi32>
    %broadcast_in_dim3A_213 = vector.shape_cast %reduce_min3A_212 : vector<128xi32> to vector<128x1xi32>
    %eq3A_214 = vector.broadcast %broadcast_in_dim3A_213 : vector<128x1xi32> to vector<128x1024xi32>
    %eq3A_215 = arith.cmpi eq, %iota3A, %eq3A_214 : vector<128x1024xi32>
    %jit3A_216 = arith.constant 0x7F800000 : f32
    %broadcast_in_dim3A_217 = vector.broadcast %jit3A_216 : f32 to vector<128x1024xf32>
    %select_n3A_218 = arith.select %eq3A_215, %broadcast_in_dim3A_217, %select_n3A_201 : vector<128x1024xi1>, vector<128x1024xf32>
    %reduce_min3A_219 = arith.constant dense<0x7F800000> : vector<128xf32>
    %reduce_min3A_220 = vector.multi_reduction <minimumf>, %select_n3A_218, %reduce_min3A_219 [1] : vector<128x1024xf32> to vector<128xf32>
    %broadcast_in_dim3A_221 = vector.shape_cast %reduce_min3A_220 : vector<128xf32> to vector<128x1xf32>
    %add3A_222 = arith.addf %add3A_205, %broadcast_in_dim3A_221 : vector<128x1xf32>
    %eq3A_223 = vector.broadcast %broadcast_in_dim3A_221 : vector<128x1xf32> to vector<128x1024xf32>
    %eq3A_224 = arith.cmpf oeq, %select_n3A_218, %eq3A_223 : vector<128x1024xf32>
    %jit3A_225 = arith.constant 1024 : i32
    %broadcast_in_dim3A_226 = vector.broadcast %jit3A_225 : i32 to vector<128x1024xi32>
    %select_n3A_227 = arith.select %eq3A_224, %iota3A, %broadcast_in_dim3A_226 : vector<128x1024xi1>, vector<128x1024xi32>
    %reduce_min3A_228 = arith.constant dense<2147483647> : vector<128xi32>
    %reduce_min3A_229 = vector.multi_reduction <minsi>, %select_n3A_227, %reduce_min3A_228 [1] : vector<128x1024xi32> to vector<128xi32>
    %broadcast_in_dim3A_230 = vector.shape_cast %reduce_min3A_229 : vector<128xi32> to vector<128x1xi32>
    %eq3A_231 = vector.broadcast %broadcast_in_dim3A_230 : vector<128x1xi32> to vector<128x1024xi32>
    %eq3A_232 = arith.cmpi eq, %iota3A, %eq3A_231 : vector<128x1024xi32>
    %jit3A_233 = arith.constant 0x7F800000 : f32
    %broadcast_in_dim3A_234 = vector.broadcast %jit3A_233 : f32 to vector<128x1024xf32>
    %select_n3A_235 = arith.select %eq3A_232, %broadcast_in_dim3A_234, %select_n3A_218 : vector<128x1024xi1>, vector<128x1024xf32>
    %reduce_min3A_236 = arith.constant dense<0x7F800000> : vector<128xf32>
    %reduce_min3A_237 = vector.multi_reduction <minimumf>, %select_n3A_235, %reduce_min3A_236 [1] : vector<128x1024xf32> to vector<128xf32>
    %broadcast_in_dim3A_238 = vector.shape_cast %reduce_min3A_237 : vector<128xf32> to vector<128x1xf32>
    %add3A_239 = arith.addf %add3A_222, %broadcast_in_dim3A_238 : vector<128x1xf32>
    %eq3A_240 = vector.broadcast %broadcast_in_dim3A_238 : vector<128x1xf32> to vector<128x1024xf32>
    %eq3A_241 = arith.cmpf oeq, %select_n3A_235, %eq3A_240 : vector<128x1024xf32>
    %jit3A_242 = arith.constant 1024 : i32
    %broadcast_in_dim3A_243 = vector.broadcast %jit3A_242 : i32 to vector<128x1024xi32>
    %select_n3A_244 = arith.select %eq3A_241, %iota3A, %broadcast_in_dim3A_243 : vector<128x1024xi1>, vector<128x1024xi32>
    %reduce_min3A_245 = arith.constant dense<2147483647> : vector<128xi32>
    %reduce_min3A_246 = vector.multi_reduction <minsi>, %select_n3A_244, %reduce_min3A_245 [1] : vector<128x1024xi32> to vector<128xi32>
    %broadcast_in_dim3A_247 = vector.shape_cast %reduce_min3A_246 : vector<128xi32> to vector<128x1xi32>
    %eq3A_248 = vector.broadcast %broadcast_in_dim3A_247 : vector<128x1xi32> to vector<128x1024xi32>
    %eq3A_249 = arith.cmpi eq, %iota3A, %eq3A_248 : vector<128x1024xi32>
    %jit3A_250 = arith.constant 0x7F800000 : f32
    %broadcast_in_dim3A_251 = vector.broadcast %jit3A_250 : f32 to vector<128x1024xf32>
    %select_n3A_252 = arith.select %eq3A_249, %broadcast_in_dim3A_251, %select_n3A_235 : vector<128x1024xi1>, vector<128x1024xf32>
    %reduce_min3A_253 = arith.constant dense<0x7F800000> : vector<128xf32>
    %reduce_min3A_254 = vector.multi_reduction <minimumf>, %select_n3A_252, %reduce_min3A_253 [1] : vector<128x1024xf32> to vector<128xf32>
    %broadcast_in_dim3A_255 = vector.shape_cast %reduce_min3A_254 : vector<128xf32> to vector<128x1xf32>
    %add3A_256 = arith.addf %add3A_239, %broadcast_in_dim3A_255 : vector<128x1xf32>
    %eq3A_257 = vector.broadcast %broadcast_in_dim3A_255 : vector<128x1xf32> to vector<128x1024xf32>
    %eq3A_258 = arith.cmpf oeq, %select_n3A_252, %eq3A_257 : vector<128x1024xf32>
    %jit3A_259 = arith.constant 1024 : i32
    %broadcast_in_dim3A_260 = vector.broadcast %jit3A_259 : i32 to vector<128x1024xi32>
    %select_n3A_261 = arith.select %eq3A_258, %iota3A, %broadcast_in_dim3A_260 : vector<128x1024xi1>, vector<128x1024xi32>
    %reduce_min3A_262 = arith.constant dense<2147483647> : vector<128xi32>
    %reduce_min3A_263 = vector.multi_reduction <minsi>, %select_n3A_261, %reduce_min3A_262 [1] : vector<128x1024xi32> to vector<128xi32>
    %broadcast_in_dim3A_264 = vector.shape_cast %reduce_min3A_263 : vector<128xi32> to vector<128x1xi32>
    %eq3A_265 = vector.broadcast %broadcast_in_dim3A_264 : vector<128x1xi32> to vector<128x1024xi32>
    %eq3A_266 = arith.cmpi eq, %iota3A, %eq3A_265 : vector<128x1024xi32>
    %jit3A_267 = arith.constant 0x7F800000 : f32
    %broadcast_in_dim3A_268 = vector.broadcast %jit3A_267 : f32 to vector<128x1024xf32>
    %select_n3A_269 = arith.select %eq3A_266, %broadcast_in_dim3A_268, %select_n3A_252 : vector<128x1024xi1>, vector<128x1024xf32>
    %reduce_min3A_270 = arith.constant dense<0x7F800000> : vector<128xf32>
    %reduce_min3A_271 = vector.multi_reduction <minimumf>, %select_n3A_269, %reduce_min3A_270 [1] : vector<128x1024xf32> to vector<128xf32>
    %broadcast_in_dim3A_272 = vector.shape_cast %reduce_min3A_271 : vector<128xf32> to vector<128x1xf32>
    %add3A_273 = arith.addf %add3A_256, %broadcast_in_dim3A_272 : vector<128x1xf32>
    %eq3A_274 = vector.broadcast %broadcast_in_dim3A_272 : vector<128x1xf32> to vector<128x1024xf32>
    %eq3A_275 = arith.cmpf oeq, %select_n3A_269, %eq3A_274 : vector<128x1024xf32>
    %jit3A_276 = arith.constant 1024 : i32
    %broadcast_in_dim3A_277 = vector.broadcast %jit3A_276 : i32 to vector<128x1024xi32>
    %select_n3A_278 = arith.select %eq3A_275, %iota3A, %broadcast_in_dim3A_277 : vector<128x1024xi1>, vector<128x1024xi32>
    %reduce_min3A_279 = arith.constant dense<2147483647> : vector<128xi32>
    %reduce_min3A_280 = vector.multi_reduction <minsi>, %select_n3A_278, %reduce_min3A_279 [1] : vector<128x1024xi32> to vector<128xi32>
    %broadcast_in_dim3A_281 = vector.shape_cast %reduce_min3A_280 : vector<128xi32> to vector<128x1xi32>
    %eq3A_282 = vector.broadcast %broadcast_in_dim3A_281 : vector<128x1xi32> to vector<128x1024xi32>
    %eq3A_283 = arith.cmpi eq, %iota3A, %eq3A_282 : vector<128x1024xi32>
    %jit3A_284 = arith.constant 0x7F800000 : f32
    %broadcast_in_dim3A_285 = vector.broadcast %jit3A_284 : f32 to vector<128x1024xf32>
    %select_n3A_286 = arith.select %eq3A_283, %broadcast_in_dim3A_285, %select_n3A_269 : vector<128x1024xi1>, vector<128x1024xf32>
    %reduce_min3A_287 = arith.constant dense<0x7F800000> : vector<128xf32>
    %reduce_min3A_288 = vector.multi_reduction <minimumf>, %select_n3A_286, %reduce_min3A_287 [1] : vector<128x1024xf32> to vector<128xf32>
    %broadcast_in_dim3A_289 = vector.shape_cast %reduce_min3A_288 : vector<128xf32> to vector<128x1xf32>
    %add3A_290 = arith.addf %add3A_273, %broadcast_in_dim3A_289 : vector<128x1xf32>
    %eq3A_291 = vector.broadcast %broadcast_in_dim3A_289 : vector<128x1xf32> to vector<128x1024xf32>
    %eq3A_292 = arith.cmpf oeq, %select_n3A_286, %eq3A_291 : vector<128x1024xf32>
    %jit3A_293 = arith.constant 1024 : i32
    %broadcast_in_dim3A_294 = vector.broadcast %jit3A_293 : i32 to vector<128x1024xi32>
    %select_n3A_295 = arith.select %eq3A_292, %iota3A, %broadcast_in_dim3A_294 : vector<128x1024xi1>, vector<128x1024xi32>
    %reduce_min3A_296 = arith.constant dense<2147483647> : vector<128xi32>
    %reduce_min3A_297 = vector.multi_reduction <minsi>, %select_n3A_295, %reduce_min3A_296 [1] : vector<128x1024xi32> to vector<128xi32>
    %broadcast_in_dim3A_298 = vector.shape_cast %reduce_min3A_297 : vector<128xi32> to vector<128x1xi32>
    %eq3A_299 = vector.broadcast %broadcast_in_dim3A_298 : vector<128x1xi32> to vector<128x1024xi32>
    %eq3A_300 = arith.cmpi eq, %iota3A, %eq3A_299 : vector<128x1024xi32>
    %jit3A_301 = arith.constant 0x7F800000 : f32
    %broadcast_in_dim3A_302 = vector.broadcast %jit3A_301 : f32 to vector<128x1024xf32>
    %select_n3A_303 = arith.select %eq3A_300, %broadcast_in_dim3A_302, %select_n3A_286 : vector<128x1024xi1>, vector<128x1024xf32>
    %reduce_min3A_304 = arith.constant dense<0x7F800000> : vector<128xf32>
    %reduce_min3A_305 = vector.multi_reduction <minimumf>, %select_n3A_303, %reduce_min3A_304 [1] : vector<128x1024xf32> to vector<128xf32>
    %broadcast_in_dim3A_306 = vector.shape_cast %reduce_min3A_305 : vector<128xf32> to vector<128x1xf32>
    %add3A_307 = arith.addf %add3A_290, %broadcast_in_dim3A_306 : vector<128x1xf32>
    %eq3A_308 = vector.broadcast %broadcast_in_dim3A_306 : vector<128x1xf32> to vector<128x1024xf32>
    %eq3A_309 = arith.cmpf oeq, %select_n3A_303, %eq3A_308 : vector<128x1024xf32>
    %jit3A_310 = arith.constant 1024 : i32
    %broadcast_in_dim3A_311 = vector.broadcast %jit3A_310 : i32 to vector<128x1024xi32>
    %select_n3A_312 = arith.select %eq3A_309, %iota3A, %broadcast_in_dim3A_311 : vector<128x1024xi1>, vector<128x1024xi32>
    %reduce_min3A_313 = arith.constant dense<2147483647> : vector<128xi32>
    %reduce_min3A_314 = vector.multi_reduction <minsi>, %select_n3A_312, %reduce_min3A_313 [1] : vector<128x1024xi32> to vector<128xi32>
    %broadcast_in_dim3A_315 = vector.shape_cast %reduce_min3A_314 : vector<128xi32> to vector<128x1xi32>
    %eq3A_316 = vector.broadcast %broadcast_in_dim3A_315 : vector<128x1xi32> to vector<128x1024xi32>
    %eq3A_317 = arith.cmpi eq, %iota3A, %eq3A_316 : vector<128x1024xi32>
    %jit3A_318 = arith.constant 0x7F800000 : f32
    %broadcast_in_dim3A_319 = vector.broadcast %jit3A_318 : f32 to vector<128x1024xf32>
    %select_n3A_320 = arith.select %eq3A_317, %broadcast_in_dim3A_319, %select_n3A_303 : vector<128x1024xi1>, vector<128x1024xf32>
    %reduce_min3A_321 = arith.constant dense<0x7F800000> : vector<128xf32>
    %reduce_min3A_322 = vector.multi_reduction <minimumf>, %select_n3A_320, %reduce_min3A_321 [1] : vector<128x1024xf32> to vector<128xf32>
    %broadcast_in_dim3A_323 = vector.shape_cast %reduce_min3A_322 : vector<128xf32> to vector<128x1xf32>
    %add3A_324 = arith.addf %add3A_307, %broadcast_in_dim3A_323 : vector<128x1xf32>
    %eq3A_325 = vector.broadcast %broadcast_in_dim3A_323 : vector<128x1xf32> to vector<128x1024xf32>
    %eq3A_326 = arith.cmpf oeq, %select_n3A_320, %eq3A_325 : vector<128x1024xf32>
    %jit3A_327 = arith.constant 1024 : i32
    %broadcast_in_dim3A_328 = vector.broadcast %jit3A_327 : i32 to vector<128x1024xi32>
    %select_n3A_329 = arith.select %eq3A_326, %iota3A, %broadcast_in_dim3A_328 : vector<128x1024xi1>, vector<128x1024xi32>
    %reduce_min3A_330 = arith.constant dense<2147483647> : vector<128xi32>
    %reduce_min3A_331 = vector.multi_reduction <minsi>, %select_n3A_329, %reduce_min3A_330 [1] : vector<128x1024xi32> to vector<128xi32>
    %broadcast_in_dim3A_332 = vector.shape_cast %reduce_min3A_331 : vector<128xi32> to vector<128x1xi32>
    %eq3A_333 = vector.broadcast %broadcast_in_dim3A_332 : vector<128x1xi32> to vector<128x1024xi32>
    %eq3A_334 = arith.cmpi eq, %iota3A, %eq3A_333 : vector<128x1024xi32>
    %jit3A_335 = arith.constant 0x7F800000 : f32
    %broadcast_in_dim3A_336 = vector.broadcast %jit3A_335 : f32 to vector<128x1024xf32>
    %select_n3A_337 = arith.select %eq3A_334, %broadcast_in_dim3A_336, %select_n3A_320 : vector<128x1024xi1>, vector<128x1024xf32>
    %reduce_min3A_338 = arith.constant dense<0x7F800000> : vector<128xf32>
    %reduce_min3A_339 = vector.multi_reduction <minimumf>, %select_n3A_337, %reduce_min3A_338 [1] : vector<128x1024xf32> to vector<128xf32>
    %broadcast_in_dim3A_340 = vector.shape_cast %reduce_min3A_339 : vector<128xf32> to vector<128x1xf32>
    %add3A_341 = arith.addf %add3A_324, %broadcast_in_dim3A_340 : vector<128x1xf32>
    %eq3A_342 = vector.broadcast %broadcast_in_dim3A_340 : vector<128x1xf32> to vector<128x1024xf32>
    %eq3A_343 = arith.cmpf oeq, %select_n3A_337, %eq3A_342 : vector<128x1024xf32>
    %jit3A_344 = arith.constant 1024 : i32
    %broadcast_in_dim3A_345 = vector.broadcast %jit3A_344 : i32 to vector<128x1024xi32>
    %select_n3A_346 = arith.select %eq3A_343, %iota3A, %broadcast_in_dim3A_345 : vector<128x1024xi1>, vector<128x1024xi32>
    %reduce_min3A_347 = arith.constant dense<2147483647> : vector<128xi32>
    %reduce_min3A_348 = vector.multi_reduction <minsi>, %select_n3A_346, %reduce_min3A_347 [1] : vector<128x1024xi32> to vector<128xi32>
    %broadcast_in_dim3A_349 = vector.shape_cast %reduce_min3A_348 : vector<128xi32> to vector<128x1xi32>
    %eq3A_350 = vector.broadcast %broadcast_in_dim3A_349 : vector<128x1xi32> to vector<128x1024xi32>
    %eq3A_351 = arith.cmpi eq, %iota3A, %eq3A_350 : vector<128x1024xi32>
    %jit3A_352 = arith.constant 0x7F800000 : f32
    %broadcast_in_dim3A_353 = vector.broadcast %jit3A_352 : f32 to vector<128x1024xf32>
    %select_n3A_354 = arith.select %eq3A_351, %broadcast_in_dim3A_353, %select_n3A_337 : vector<128x1024xi1>, vector<128x1024xf32>
    %reduce_min3A_355 = arith.constant dense<0x7F800000> : vector<128xf32>
    %reduce_min3A_356 = vector.multi_reduction <minimumf>, %select_n3A_354, %reduce_min3A_355 [1] : vector<128x1024xf32> to vector<128xf32>
    %broadcast_in_dim3A_357 = vector.shape_cast %reduce_min3A_356 : vector<128xf32> to vector<128x1xf32>
    %add3A_358 = arith.addf %add3A_341, %broadcast_in_dim3A_357 : vector<128x1xf32>
    %eq3A_359 = vector.broadcast %broadcast_in_dim3A_357 : vector<128x1xf32> to vector<128x1024xf32>
    %eq3A_360 = arith.cmpf oeq, %select_n3A_354, %eq3A_359 : vector<128x1024xf32>
    %jit3A_361 = arith.constant 1024 : i32
    %broadcast_in_dim3A_362 = vector.broadcast %jit3A_361 : i32 to vector<128x1024xi32>
    %select_n3A_363 = arith.select %eq3A_360, %iota3A, %broadcast_in_dim3A_362 : vector<128x1024xi1>, vector<128x1024xi32>
    %reduce_min3A_364 = arith.constant dense<2147483647> : vector<128xi32>
    %reduce_min3A_365 = vector.multi_reduction <minsi>, %select_n3A_363, %reduce_min3A_364 [1] : vector<128x1024xi32> to vector<128xi32>
    %broadcast_in_dim3A_366 = vector.shape_cast %reduce_min3A_365 : vector<128xi32> to vector<128x1xi32>
    %eq3A_367 = vector.broadcast %broadcast_in_dim3A_366 : vector<128x1xi32> to vector<128x1024xi32>
    %eq3A_368 = arith.cmpi eq, %iota3A, %eq3A_367 : vector<128x1024xi32>
    %jit3A_369 = arith.constant 0x7F800000 : f32
    %broadcast_in_dim3A_370 = vector.broadcast %jit3A_369 : f32 to vector<128x1024xf32>
    %select_n3A_371 = arith.select %eq3A_368, %broadcast_in_dim3A_370, %select_n3A_354 : vector<128x1024xi1>, vector<128x1024xf32>
    %reduce_min3A_372 = arith.constant dense<0x7F800000> : vector<128xf32>
    %reduce_min3A_373 = vector.multi_reduction <minimumf>, %select_n3A_371, %reduce_min3A_372 [1] : vector<128x1024xf32> to vector<128xf32>
    %broadcast_in_dim3A_374 = vector.shape_cast %reduce_min3A_373 : vector<128xf32> to vector<128x1xf32>
    %add3A_375 = arith.addf %add3A_358, %broadcast_in_dim3A_374 : vector<128x1xf32>
    %eq3A_376 = vector.broadcast %broadcast_in_dim3A_374 : vector<128x1xf32> to vector<128x1024xf32>
    %eq3A_377 = arith.cmpf oeq, %select_n3A_371, %eq3A_376 : vector<128x1024xf32>
    %jit3A_378 = arith.constant 1024 : i32
    %broadcast_in_dim3A_379 = vector.broadcast %jit3A_378 : i32 to vector<128x1024xi32>
    %select_n3A_380 = arith.select %eq3A_377, %iota3A, %broadcast_in_dim3A_379 : vector<128x1024xi1>, vector<128x1024xi32>
    %reduce_min3A_381 = arith.constant dense<2147483647> : vector<128xi32>
    %reduce_min3A_382 = vector.multi_reduction <minsi>, %select_n3A_380, %reduce_min3A_381 [1] : vector<128x1024xi32> to vector<128xi32>
    %broadcast_in_dim3A_383 = vector.shape_cast %reduce_min3A_382 : vector<128xi32> to vector<128x1xi32>
    %eq3A_384 = vector.broadcast %broadcast_in_dim3A_383 : vector<128x1xi32> to vector<128x1024xi32>
    %eq3A_385 = arith.cmpi eq, %iota3A, %eq3A_384 : vector<128x1024xi32>
    %jit3A_386 = arith.constant 0x7F800000 : f32
    %broadcast_in_dim3A_387 = vector.broadcast %jit3A_386 : f32 to vector<128x1024xf32>
    %select_n3A_388 = arith.select %eq3A_385, %broadcast_in_dim3A_387, %select_n3A_371 : vector<128x1024xi1>, vector<128x1024xf32>
    %reduce_min3A_389 = arith.constant dense<0x7F800000> : vector<128xf32>
    %reduce_min3A_390 = vector.multi_reduction <minimumf>, %select_n3A_388, %reduce_min3A_389 [1] : vector<128x1024xf32> to vector<128xf32>
    %broadcast_in_dim3A_391 = vector.shape_cast %reduce_min3A_390 : vector<128xf32> to vector<128x1xf32>
    %add3A_392 = arith.addf %add3A_375, %broadcast_in_dim3A_391 : vector<128x1xf32>
    %eq3A_393 = vector.broadcast %broadcast_in_dim3A_391 : vector<128x1xf32> to vector<128x1024xf32>
    %eq3A_394 = arith.cmpf oeq, %select_n3A_388, %eq3A_393 : vector<128x1024xf32>
    %jit3A_395 = arith.constant 1024 : i32
    %broadcast_in_dim3A_396 = vector.broadcast %jit3A_395 : i32 to vector<128x1024xi32>
    %select_n3A_397 = arith.select %eq3A_394, %iota3A, %broadcast_in_dim3A_396 : vector<128x1024xi1>, vector<128x1024xi32>
    %reduce_min3A_398 = arith.constant dense<2147483647> : vector<128xi32>
    %reduce_min3A_399 = vector.multi_reduction <minsi>, %select_n3A_397, %reduce_min3A_398 [1] : vector<128x1024xi32> to vector<128xi32>
    %broadcast_in_dim3A_400 = vector.shape_cast %reduce_min3A_399 : vector<128xi32> to vector<128x1xi32>
    %eq3A_401 = vector.broadcast %broadcast_in_dim3A_400 : vector<128x1xi32> to vector<128x1024xi32>
    %eq3A_402 = arith.cmpi eq, %iota3A, %eq3A_401 : vector<128x1024xi32>
    %jit3A_403 = arith.constant 0x7F800000 : f32
    %broadcast_in_dim3A_404 = vector.broadcast %jit3A_403 : f32 to vector<128x1024xf32>
    %select_n3A_405 = arith.select %eq3A_402, %broadcast_in_dim3A_404, %select_n3A_388 : vector<128x1024xi1>, vector<128x1024xf32>
    %reduce_min3A_406 = arith.constant dense<0x7F800000> : vector<128xf32>
    %reduce_min3A_407 = vector.multi_reduction <minimumf>, %select_n3A_405, %reduce_min3A_406 [1] : vector<128x1024xf32> to vector<128xf32>
    %broadcast_in_dim3A_408 = vector.shape_cast %reduce_min3A_407 : vector<128xf32> to vector<128x1xf32>
    %add3A_409 = arith.addf %add3A_392, %broadcast_in_dim3A_408 : vector<128x1xf32>
    %reduce_sum3A = vector.shape_cast %add3A_409 : vector<128x1xf32> to vector<1x128x1xf32>
    %reduce_sum3A_410 = arith.constant dense<0.000000e+00> : vector<1xf32>
    %reduce_sum3A_411 = vector.multi_reduction <add>, %reduce_sum3A, %reduce_sum3A_410 [1, 2] : vector<1x128x1xf32> to vector<1xf32>
    %reduce_sum3A_412 = vector.shape_cast %reduce_sum3A_411 : vector<1xf32> to vector<1x1x1xf32>
    %reduce_sum3A_413 = vector.extract %reduce_sum3A_412[0, 0, 0] : f32 from vector<1x1x1xf32>
    %mul3A = arith.constant 3.906250e-05 : f32
    %mul3A_414 = arith.mulf %reduce_sum3A_413, %mul3A : f32
    %eq3A_415 = arith.constant 0 : i32
    %eq3A_416 = arith.cmpi eq, %arg0, %eq3A_415 : i32
    %convert_element_type3A = arith.extui %eq3A_416 : i1 to i32
    %cond3A = arith.constant 0 : i32
    %cond3A_417 = arith.cmpi ne, %convert_element_type3A, %cond3A : i32
    scf.if %cond3A_417 {
      %broadcast_in_dim3A_424 = arith.constant 0.000000e+00 : f32
      %broadcast_in_dim3A_425 = vector.broadcast %broadcast_in_dim3A_424 : f32 to vector<1x1xf32>
      %swap3A_426 = arith.constant 0 : index
      %swap3A_427 = arith.constant 0 : index
      %swap3A_428 = vector.load %arg2[%swap3A_426, %swap3A_427] : memref<1x1xf32, #tpu.memory_space<vmem>>, vector<1x1xf32>
      tpu.vector_store %arg2[%swap3A_426, %swap3A_427], %broadcast_in_dim3A_425 {strides = array<i32>} : memref<1x1xf32, #tpu.memory_space<vmem>>, vector<1x1xf32>,
    } else {
    }
    %get3A_418 = arith.constant 0 : index
    %get3A_419 = arith.constant 0 : index
    %get3A_420 = vector.load %arg2[%get3A_418, %get3A_419] : memref<1x1xf32, #tpu.memory_space<vmem>>, vector<1x1xf32>
    %reshape3A = vector.broadcast %mul3A_414 : f32 to vector<1x1xf32>
    %add3A_421 = arith.addf %get3A_420, %reshape3A : vector<1x1xf32>
    %swap3A = arith.constant 0 : index
    %swap3A_422 = arith.constant 0 : index
    %swap3A_423 = vector.load %arg2[%swap3A, %swap3A_422] : memref<1x1xf32, #tpu.memory_space<vmem>>, vector<1x1xf32>
    tpu.vector_store %arg2[%swap3A, %swap3A_422], %add3A_421 {strides = array<i32>} : memref<1x1xf32, #tpu.memory_space<vmem>>, vector<1x1xf32>,
    return
  }
  func.func @transform_0(%arg0: i32) -> (i32, i32) {
    %c0_i32 = arith.constant 0 : i32
    %c0_i32_0 = arith.constant 0 : i32
    return %arg0, %c0_i32 : i32, i32
  }
  func.func @transform_1(%arg0: i32) -> (i32, i32) {
    %c0_i32 = arith.constant 0 : i32
    %c0_i32_0 = arith.constant 0 : i32
    %c0_i32_1 = arith.constant 0 : i32
    return %c0_i32, %c0_i32_0 : i32, i32
  }
}

module attributes {stable_mosaic.version = 14 : i64} {
  func.func @_ent_body(%arg0: i32, %arg1: memref<8x64x1024xf32, #tpu.memory_space<vmem>>, %arg2: memref<8x1xi32, #tpu.memory_space<vmem>>, %arg3: memref<1x1024xi32, #tpu.memory_space<vmem>>, %arg4: memref<8x1xi32, #tpu.memory_space<vmem>>, %arg5: memref<1x1024xi32, #tpu.memory_space<vmem>>, %arg6: memref<8x1024xf32, #tpu.memory_space<vmem>>) attributes {dimension_semantics = [#tpu.dimension_semantics<arbitrary>], iteration_bounds = array<i64: 128>, scalar_prefetch = 0 : i64, scratch_operands = 0 : i64, tpu.core_type = #tpu.core_type<tc>, window_params = [{transform_indices = @transform_0, window_bounds = array<i64: 8, 64, 1024>}, {transform_indices = @transform_1, window_bounds = array<i64: 8, 1>}, {pipeline_mode = #tpu.pipeline_mode<synchronous>, transform_indices = @transform_2, window_bounds = array<i64: 1, 1024>}, {transform_indices = @transform_3, window_bounds = array<i64: 8, 1>}, {pipeline_mode = #tpu.pipeline_mode<synchronous>, transform_indices = @transform_4, window_bounds = array<i64: 1, 1024>}, {transform_indices = @transform_5, window_bounds = array<i64: 8, 1024>}]} {
    %get3A = arith.constant 0 : index
    %get3A_0 = arith.constant 0 : index
    %get3A_1 = arith.constant 0 : index
    %get3A_2 = vector.load %arg1[%get3A, %get3A_0, %get3A_1] : memref<8x64x1024xf32, #tpu.memory_space<vmem>>, vector<8x64x1024xf32>
    %jit3A = arith.constant -6.000000e+01 : f32
    %jit3A_3 = arith.constant 6.000000e+01 : f32
    %max3A = vector.broadcast %jit3A : f32 to vector<8x64x1024xf32>
    %max3A_4 = arith.maximumf %max3A, %get3A_2 : vector<8x64x1024xf32>
    %min3A = vector.broadcast %jit3A_3 : f32 to vector<8x64x1024xf32>
    %min3A_5 = arith.minimumf %min3A, %max3A_4 : vector<8x64x1024xf32>
    %exp3A = math.exp %min3A_5 : vector<8x64x1024xf32>
    %reduce_sum3A = arith.constant dense<0.000000e+00> : vector<8x1024xf32>
    %reduce_sum3A_6 = vector.multi_reduction <add>, %exp3A, %reduce_sum3A [1] : vector<8x64x1024xf32> to vector<8x1024xf32>
    %slice3A = vector.extract_strided_slice %exp3A {offsets = [0, 0, 0], sizes = [8, 38, 1024], strides = [1, 1, 1]} : vector<8x64x1024xf32> to vector<8x38x1024xf32>
    %reduce_sum3A_7 = arith.constant dense<0.000000e+00> : vector<8x1024xf32>
    %reduce_sum3A_8 = vector.multi_reduction <add>, %slice3A, %reduce_sum3A_7 [1] : vector<8x38x1024xf32> to vector<8x1024xf32>
    %slice3A_9 = vector.extract_strided_slice %min3A_5 {offsets = [0, 0, 0], sizes = [8, 38, 1024], strides = [1, 1, 1]} : vector<8x64x1024xf32> to vector<8x38x1024xf32>
    %slice3A_10 = vector.extract_strided_slice %exp3A {offsets = [0, 0, 0], sizes = [8, 38, 1024], strides = [1, 1, 1]} : vector<8x64x1024xf32> to vector<8x38x1024xf32>
    %mul3A = arith.mulf %slice3A_9, %slice3A_10 : vector<8x38x1024xf32>
    %reduce_sum3A_11 = arith.constant dense<0.000000e+00> : vector<8x1024xf32>
    %reduce_sum3A_12 = vector.multi_reduction <add>, %mul3A, %reduce_sum3A_11 [1] : vector<8x38x1024xf32> to vector<8x1024xf32>
    %log3A = math.log %reduce_sum3A_6 : vector<8x1024xf32>
    %div3A = arith.divf %reduce_sum3A_12, %reduce_sum3A_8 : vector<8x1024xf32>
    %sub3A = arith.subf %log3A, %div3A : vector<8x1024xf32>
    %get3A_13 = arith.constant 0 : index
    %get3A_14 = arith.constant 0 : index
    %get3A_15 = vector.load %arg2[%get3A_13, %get3A_14] : memref<8x1xi32, #tpu.memory_space<vmem>>, vector<8x1xi32>
    %get3A_16 = arith.constant 0 : index
    %get3A_17 = arith.constant 0 : index
    %get3A_18 = vector.load %arg4[%get3A_16, %get3A_17] : memref<8x1xi32, #tpu.memory_space<vmem>>, vector<8x1xi32>
    %get3A_19 = arith.constant 0 : index
    %get3A_20 = arith.constant 0 : index
    %get3A_21 = vector.load %arg3[%get3A_19, %get3A_20] : memref<1x1024xi32, #tpu.memory_space<vmem>>, vector<1x1024xi32>
    %sub3A_22 = vector.broadcast %get3A_15 : vector<8x1xi32> to vector<8x1024xi32>
    %sub3A_23 = vector.broadcast %get3A_21 : vector<1x1024xi32> to vector<8x1024xi32>
    %sub3A_24 = arith.subi %sub3A_22, %sub3A_23 : vector<8x1024xi32>
    %abs3A = math.absi %sub3A_24 : vector<8x1024xi32>
    %ge3A = arith.constant 10 : i32
    %ge3A_25 = vector.broadcast %ge3A : i32 to vector<8x1024xi32>
    %ge3A_26 = arith.cmpi sge, %abs3A, %ge3A_25 : vector<8x1024xi32>
    %get3A_27 = arith.constant 0 : index
    %get3A_28 = arith.constant 0 : index
    %get3A_29 = vector.load %arg5[%get3A_27, %get3A_28] : memref<1x1024xi32, #tpu.memory_space<vmem>>, vector<1x1024xi32>
    %ne3A = vector.broadcast %get3A_18 : vector<8x1xi32> to vector<8x1024xi32>
    %ne3A_30 = vector.broadcast %get3A_29 : vector<1x1024xi32> to vector<8x1024xi32>
    %ne3A_31 = arith.cmpi ne, %ne3A, %ne3A_30 : vector<8x1024xi32>
    %or3A = arith.ori %ge3A_26, %ne3A_31 : vector<8x1024xi1>
    %jit3A_32 = arith.constant 1.000000e+06 : f32
    %broadcast_in_dim3A = vector.broadcast %jit3A_32 : f32 to vector<8x1024xf32>
    %select_n3A = arith.select %or3A, %sub3A, %broadcast_in_dim3A : vector<8x1024xi1>, vector<8x1024xf32>
    %swap3A = arith.constant 0 : index
    %swap3A_33 = arith.constant 0 : index
    %swap3A_34 = vector.load %arg6[%swap3A, %swap3A_33] : memref<8x1024xf32, #tpu.memory_space<vmem>>, vector<8x1024xf32>
    tpu.vector_store %arg6[%swap3A, %swap3A_33], %select_n3A {strides = array<i32>} : memref<8x1024xf32, #tpu.memory_space<vmem>>, vector<8x1024xf32>,
    return
  }
  func.func @transform_0(%arg0: i32) -> (i32, i32, i32) {
    %c0_i32 = arith.constant 0 : i32
    %c0_i32_0 = arith.constant 0 : i32
    %c0_i32_1 = arith.constant 0 : i32
    return %arg0, %c0_i32, %c0_i32_0 : i32, i32, i32
  }
  func.func @transform_1(%arg0: i32) -> (i32, i32) {
    %c0_i32 = arith.constant 0 : i32
    %c0_i32_0 = arith.constant 0 : i32
    return %arg0, %c0_i32 : i32, i32
  }
  func.func @transform_2(%arg0: i32) -> (i32, i32) {
    %c0_i32 = arith.constant 0 : i32
    %c0_i32_0 = arith.constant 0 : i32
    %c0_i32_1 = arith.constant 0 : i32
    return %c0_i32, %c0_i32_0 : i32, i32
  }
  func.func @transform_3(%arg0: i32) -> (i32, i32) {
    %c0_i32 = arith.constant 0 : i32
    %c0_i32_0 = arith.constant 0 : i32
    return %arg0, %c0_i32 : i32, i32
  }
  func.func @transform_4(%arg0: i32) -> (i32, i32) {
    %c0_i32 = arith.constant 0 : i32
    %c0_i32_0 = arith.constant 0 : i32
    %c0_i32_1 = arith.constant 0 : i32
    return %c0_i32, %c0_i32_0 : i32, i32
  }
  func.func @transform_5(%arg0: i32) -> (i32, i32) {
    %c0_i32 = arith.constant 0 : i32
    %c0_i32_0 = arith.constant 0 : i32
    return %arg0, %c0_i32 : i32, i32
  }
}

</mosaic_0001>

<sc_bundles>
// kernel: kernel.5.cloned.1.call-start
scs
__scs_entry_jumppad:
0x0: {  	(pc) =	sbr.rel $0x88, $3  }
0x1: {  	(tag) =	ssettag $0x0;
	lr =	simm.s32 $0x1  }
0x2: {  	[smem:$0x3F9E] =	sst lr;
	_ =	strace $0xD0000000  }
0x3: {  	_ = 	snop  }
0x4: {  	_ = 	snop  }
0x5: {  	_ = 	snop  }
0x6: {  	_ = 	snop  }
0x7: {  	_ = 	snop  }
__scs_overlays_trampoline_lowered:
0x8: {  	[smem:$0x3FAD] =	sst s0  }
0x9: {  	[smem:$0x3FAE] =	sst s1  }
0xa: {  	[smem:$0x3FAF] =	sst s2  }
0xb: {  	[smem:$0x3FB0] =	sst s3  }
0xc: {  	[smem:$0x3FB1] =	sst s4  }
0xd: {  	[smem:$0x3FB2] =	sst s5  }
0xe: {  	[smem:$0x3FB3] =	sst s6  }
0xf: {  	[smem:$0x3FB4] =	sst s7  }
0x10: {  	[smem:$0x3FB5] =	sst s8  }
0x11: {  	[smem:$0x3FB6] =	sst s9;
	s0 =	simm.s32 @!p0 $0x0  }
0x12: {  	s1 =	sld [smem:$0x3F9C];
	s0 =	simm.s32 @p0 $0x1  }
0x13: {  	[smem:$0x3FB7] =	sst s0;
	s0 =	simm.s32 @!p1 $0x0  }
0x14: {  	s2 =	sld [smem:$0x3F9B];
	s0 =	simm.s32 @p1 $0x1  }
0x15: {  	[smem:$0x3FB8] =	sst s0;
	s0 =	simm.s32 @!p2 $0x0  }
0x16: {  	s3 =	sld [smem:$0x3FDB];
	s0 =	simm.s32 @p2 $0x1  }
0x17: {  	s4 =	simm.s32 $0x1BF5;
	[smem:$0x3FBA] =	sst s0  }
0x18: {  	s0 =	sld [smem:$0x3F9D];
	_ =	swait.ge [sflag:s4], $0x0  }
0x19: {  	s7 =	sld [smem:$0x3F9E]  }
0x1a: {  	s8 =	sadd.s32 $0xFFFFE003, lr  }
0x1b: {  	s9 =	sadd.s32 $0xFFFFFEF7, lr;
	s5 =	simm.s32 $0xFFFFFFFF;
	p2 =	slt.u32 s8, $0xFFFFF086  }
0x1c: {  	p1 =	slt.u32 s9, $0xF7A;
	s5 =	simm.s32 @!p2 $0x0  }
0x1d: {  	s5 =	simm.s32 @p1 $0x1;
	p0 =	seq.s32 s7, s2  }
0x1e: {  	s7 =	smul.u32 @!p0 $0xF7A, s2;
	p2 =	seq.s32 @!p0 s5, $0x0  }
0x1f: {  	s9 =	smul.u32 $0xF7A, s1;
	s8 =	simm.s32 @!p0 $0x1BF5;
	p2 =	por !p2, p0  }
0x20: {  	[sflag:s8] =	ssyncset.s32 @!p0 $0xFFFFF086;
	s6 =	sadd.s32 @!p0 s3, s7;
	s7 =	simm.s32 @!p0 $0x108  }
0x21: {  	s3 =	sadd.s32 s3, s9;
	s6 =	sadd.s32 @!p0 $0x88, s6;
	s7 =	simm.s32 @p2 $0x1082  }
0x22: {  	[simem:s7], [sflag:s8] =	dma.local @!p0 [hbm:s6], $0xF7A  }
0x23: {  	s9 =	sor.u32 $0xD0000000, s2;
	s6 =	simm.s32 $0x108;
	_ =	swait.ge @!p0 [sflag:s8], $0x0  }
0x24: {  	s3 =	sadd.s32 $0x88, s3;
	s6 =	simm.s32 @!p1 $0x1082;
	[sflag:s4] =	ssyncset.s32 $0xFFFFF086  }
0x25: {  	[simem:s6], [sflag:s4] =	dma.local [hbm:s3], $0xF7A  }
0x26: {  	[smem:$0x3F9E] =	sst s1;
	(tag) =	ssettag s2;
	_ =	strace s9  }
0x27: {  	s1 =	sld [smem:$0x3FAE]  }
0x28: {  	s2 =	sld [smem:$0x3FAF]  }
0x29: {  	s4 =	sld [smem:$0x3FB1]  }
0x2a: {  	p0 =	seq.s32 s5, $0x0;
	s5 =	sld [smem:$0x3FB2]  }
0x2b: {  	s6 =	sld [smem:$0x3FB3]  }
0x2c: {  	s7 =	sld [smem:$0x3FB4]  }
0x2d: {  	s3 =	simm.s32 $0x108;
	s8 =	sld [smem:$0x3FB5]  }
0x2e: {  	s3 =	simm.s32 @!p0 $0x1082;
	s9 =	sld [smem:$0x3FB6]  }
0x2f: {  	lr =	sadd.s32 s0, s3;
	s0 =	sld [smem:$0x3FAD]  }
0x30: {  	s3 =	sld [smem:$0x3FB0]  }
0x31: {  	[smem:$0x3FB9] =	sst s10  }
0x32: {  	s10 =	sld [smem:$0x3FB7];
	_ =	sdelay $0x3  }
0x33: {  	p0 =	seq.s32 s10, $0x1;
	s10 =	sld [smem:$0x3FB9];
	_ =	sdelay $0x3  }
0x34: {  	[smem:$0x3FB9] =	sst s10  }
0x35: {  	s10 =	sld [smem:$0x3FB8];
	_ =	sdelay $0x3  }
0x36: {  	p1 =	seq.s32 s10, $0x1;
	s10 =	sld [smem:$0x3FB9];
	_ =	sdelay $0x3  }
0x37: {  	[smem:$0x3FB9] =	sst s10  }
0x38: {  	s10 =	sld [smem:$0x3FBA]  }
0x39: {  	_ = 	snop;
	(pc) =	sbr.ind lr, $3  }
0x3a: {  	_ = 	snop  }
0x3b: {  	_ = 	snop  }
0x3c: {  	p2 =	seq.s32 s10, $0x1;
	s10 =	sld [smem:$0x3FB9]  }
0x3d: {  	_ =	shalt  }
0x3e: {  	_ =	shalt  }
0x3f: {  	_ =	shalt  }
0x40: {  	_ =	shalt  }
0x41: {  	_ =	shalt  }
0x42: {  	_ =	shalt  }
0x43: {  	_ =	shalt  }
0x44: {  	_ =	shalt  }
0x45: {  	_ =	shalt  }
0x46: {  	_ =	shalt  }
0x47: {  	_ =	shalt  }
0x48: {  	_ =	shalt  }
0x49: {  	_ =	shalt  }
0x4a: {  	_ =	shalt  }
0x4b: {  	_ =	shalt  }
0x4c: {  	_ =	shalt  }
0x4d: {  	_ =	shalt  }
0x4e: {  	_ =	shalt  }
0x4f: {  	_ =	shalt  }
0x50: {  	_ =	shalt  }
0x51: {  	_ =	shalt  }
0x52: {  	_ =	shalt  }
0x53: {  	_ =	shalt  }
0x54: {  	_ =	shalt  }
0x55: {  	_ =	shalt  }
0x56: {  	_ =	shalt  }
0x57: {  	_ =	shalt  }
0x58: {  	_ =	shalt  }
0x59: {  	_ =	shalt  }
0x5a: {  	_ =	shalt  }
0x5b: {  	_ =	shalt  }
0x5c: {  	_ =	shalt  }
0x5d: {  	_ =	shalt  }
0x5e: {  	_ =	shalt  }
0x5f: {  	_ =	shalt  }
0x60: {  	_ =	shalt  }
0x61: {  	_ =	shalt  }
0x62: {  	_ =	shalt  }
0x63: {  	_ =	shalt  }
0x64: {  	_ =	shalt  }
0x65: {  	_ =	shalt  }
0x66: {  	_ =	shalt  }
0x67: {  	_ =	shalt  }
0x68: {  	_ =	shalt  }
0x69: {  	_ =	shalt  }
0x6a: {  	_ =	shalt  }
0x6b: {  	_ =	shalt  }
0x6c: {  	_ =	shalt  }
0x6d: {  	_ =	shalt  }
0x6e: {  	_ =	shalt  }
0x6f: {  	_ =	shalt  }
0x70: {  	_ =	shalt  }
0x71: {  	_ =	shalt  }
0x72: {  	_ =	shalt  }
0x73: {  	_ =	shalt  }
0x74: {  	_ =	shalt  }
0x75: {  	_ =	shalt  }
0x76: {  	_ =	shalt  }
0x77: {  	_ =	shalt  }
0x78: {  	_ =	shalt  }
0x79: {  	_ =	shalt  }
0x7a: {  	_ =	shalt  }
0x7b: {  	_ =	shalt  }
0x7c: {  	_ =	shalt  }
0x7d: {  	_ =	shalt  }
0x7e: {  	_ =	shalt  }
0x7f: {  	_ =	shalt  }
0x80: {  	_ =	shalt  }
0x81: {  	_ =	shalt  }
0x82: {  	_ =	shalt  }
0x83: {  	_ =	shalt  }
0x84: {  	_ =	shalt  }
0x85: {  	_ =	shalt  }
0x86: {  	_ =	shalt  }
0x87: {  	_ =	shalt  }
.Lfunc_end0:
.L_simem_size_0:
called_computation_lowered:
.L_overlay_start_0:
0x88: {  	s2 =	sld [smem:$0x3FD9]  }
0x89: {  	s3 =	sld [smem:$0x3FFE];
	_ =	sdelay $0x1  }
0x8a: {  	s1 =	srdreg.scid  }
0x8b: {  	s0 =	sand.u32 $0x1, s1  }
0x8c: {  	s16 =	sshll.u32 s0, $0xA;
	s2 =	sadd.s32 s3, s2  }
0x8d: {  	s2 =	sadd.s32 s2, s16  }
0x8e: {  	[smem:$0x3FC5] =	sst s2  }
0x8f: {  	_ = 	snop  }
0x90: {  	(tm) =	ssettm $0x1  }
0x91: {  	s17 =	sld [smem:$0x3FFB];
	_ =	sdelay $0x3  }
0x92: {  	_ =	strace s17  }
0x93: {  	s2 =	sld [smem:$0x3FFC];
	_ =	sdelay $0x3  }
0x94: {  	_ =	strace s2  }
0x95: {  	s2 =	sld [smem:$0x3FFD];
	_ =	sdelay $0x3  }
0x96: {  	_ =	strace s2  }
0x97: {  	_ =	strace $0x8FFFFFFF  }
0x98: {  	s18 =	sld [smem:$0x3FDB];
	_ =	sdelay $0x1  }
0x99: {  	s19 =	simm.s32 $_scs_section_size  }
0x9a: {  	s4 =	simm.s32 $_size__tile_overlayer_lowered;
	s5 =	simm.s32 $_tile_overlayer_lowered  }
0x9b: {  	s22 =	simm.s32 $0x1BFF;
	s21 =	sshll.u32 s5, $0x1;
	s2 =	sadd.s32 s19, s18  }
0x9c: {  	s6 =	simm.s32 $0x0;
	s20 =	sshll.u32 s4, $0x1;
	s4 =	sadd.s32 s21, s2  }
0x9d: {  	[timem:s6], [sflag:s22] =	dma.local [hbm:s4], s20  }
0x9e: {  	_ =	swait.ge [sflag:s22], s20  }
0x9f: {  	s3 =	ssub.s32 $0x0, s20;
	[sflag:s22] =	ssyncset.done $0x0  }
0xa0: {  	[sflag:s22] =	ssyncadd.s32 s3;
	_ =	sdelay $0x1  }
0xa1: {  	s23 =	simm.s32 $0x1B8B  }
0xa2: {  	_ =	swait.ge [sflag:s23], $0x1  }
0xa3: {  	[sflag:s23] =	ssyncset.done $0x0  }
0xa4: {  	s25 =	simm.s32 $0x1B8E;
	s24 =	sld [smem:$0x3FFE];
	[sflag:s23] =	ssyncadd.s32 $0xFFFFFFFF  }
0xa5: {  	s26 =	simm.s32 $execute0_lowered;
	[smem:$0x3FD2] =	sst s25  }
0xa6: {  	s4 =	sshll.u32 s26, $0x1;
	_ =	strace $0x80000046;
	[dreg:$0x1] =	wrdreg $0xFFFFFFFF  }
0xa7: {  	s28 =	simm.s32 $_size_execute0_lowered;
	s2 =	sadd.s32 s2, s4;
	[dreg:$0x0] =	wrdreg $0x0  }
0xa8: {  	s4 =	sshll.u32 s28, $0x1;
	[dreg:$0x2] =	wrdreg s2  }
0xa9: {  	[dreg:$0x3] =	wrdreg s4  }
0xaa: {  	[dreg:$0x4] =	wrdreg $0xC0  }
0xab: {  	_ =	task [dreg:s6], $0x5FFFF  }
0xac: {  	[dreg:$0x1] =	wrdreg $0xFFFFFFFF  }
0xad: {  	[dreg:$0x0] =	wrdreg $0x60  }
0xae: {  	[dreg:$0x2] =	wrdreg s24  }
0xaf: {  	[dreg:$0x3] =	wrdreg $0x9  }
0xb0: {  	_ =	task.clear_ibuf [dreg:s6], $0x4FFFF;
	_ =	strace $0x90000046  }
0xb1: {  	s29 =	simm.s32 $0x9;
	_ =	strace $0x80000048  }
0xb2: {  	_ =	swait.ge [sflag:s29], $0x1  }
0xb3: {  	[sflag:s29] =	ssyncadd.s32 $0xFFFFFFFF  }
0xb4: {  	_ =	strace $0x90000048  }
0xb5: {  	_ =	sfence  }
0xb6: {  	s30 =	sld [smem:$0x0];
	_ =	sdelay $0x2  }
0xb7: {  	s31 =	sshll.u32 s1, $0xD;
	s1 =	sshrl.u32 s1, $0x2  }
0xb8: {  	s3 =	sand.u32 $0x4000, s31;
	s1 =	sadd.s32 s1, s30  }
0xb9: {  	s0 =	sor.u32 s3, s0;
	s1 =	sshll.u32 s1, $0x11  }
0xba: {  	s0 =	sor.u32 s1, s0  }
0xbb: {  	s0 =	sadd.s32 $0x8F2B, s0  }
0xbc: {  	[sflag:s0] =	ssyncadd.remote.s32 $0x1  }
0xbd: {  	_ =	sfence.sel $0xFFFF  }
0xbe: {  	[dreg:$0x0] =	wrdreg $0xFFFFFFFF;
	(pc) =	sbr.abs _section_cstart, $3  }
0xbf: {  	[dreg:$0x1] =	wrdreg $0xFFFFFFFF  }
0xc0: {  	_ =	task.clear_ibuf [dreg:s6], $0x2FFFF;
	_ =	strace $0x9FFFFFFF  }
0xc1: {  	(tm) =	ssettm $0x7FFFFFFF  }
tec
execute0_lowered:
.L_overlay_start_1:
0x0: {  	(tag) =	ssettag $0x1  }
0x1: {  	s2 =	rddreg [dreg:$0x0]  }
0x2: {  	s0 =	rddreg [dreg:$0x1];
	s1 =	simm.s32 $0x0  }
0x3: {  	s3 =	srdreg.scid;
	s9 =	simm.s32 $0x1000;
	[smem:$0x7FF] =	sst s1  }
0x4: {  	s10 =	simm.s32 $0x0;
	s3 =	sand.u32 $0x1, s3;
	_ =	strace $0x80000047  }
0x5: {  	s4 =	sshll.u32 s3, $0x6;
	s5 =	sshll.u32 s3, $0x4;
	s3 =	ssub.s32 $0x2, s3  }
0x6: {  	s4 =	sadd.s32 s4, s2;
	s5 =	sadd.s32 s5, s2;
	s2 =	stileid.u32  }
0x7: {  	s8 =	sshrl.u32 s3, $0x1;
	s6 =	sshll.u32 s2, $0xA;
	s7 =	sshll.u32 s2, $0x5  }
0x8: {  	s31 =	ssub.s32 s3, s8;
	s8 =	simm.s32 $0x1;
	s4 =	sadd.s32 s6, s4  }
0x9: {  	s5 =	sadd.s32 s7, s5;
	s6 =	simm.s32 $0x200;
	s7 =	simm.s32 $0x400  }
0xa: {  	vm0 =	vmmov $0x1ff;
	v0 =	vlaneseq.u32;
	s3 =	sadd.s32 $0x1C800, s4;
	s4 =	sadd.s32 $0x20800, s5;
	s5 =	smax.u32 s31, $0x1  }
.LBB2_1:
0xb: {  	[tilespmem:s1], [sflag:$0x1] =	stream.strided.gather [hbm4b:s3+s6], $0x1000, s7, s6, $0x38;
	[tilespmem:$0x1080] =	vst v63  }
0xc: {  	_ =	swait.ge [sflag:s8], $0x1000  }
0xd: {  	[sflag:s8] =	ssyncset.done $0x0  }
0xe: {  	v1 =	vimm.f32 $0.0e+00;
	s11 =	simm.s32 $0x0;
	[sflag:s8] =	ssyncadd.s32 $0xFFFFF000  }
.LBB2_2:
0xf: {  	s13 =	sshll.u32 s11, $0x7;
	s12 =	simm.s32 $0x0  }
0x10: {  	s13 =	sand.u32 $0x3FFFFF80, s13;
	s14 =	sand.u32 $0xE00, s12  }
0x11: {  	s15 =	sand.u32 $0x70, s12;
	s14 =	sadd.s32 s14, s13  }
0x12: {  	s14 =	sadd.s32 s15, s14  }
0x13: {  	v2 =	vld [tilespmem:s14+$0x0];
	_ =	sdelay $0x4  }
0x14: {  	(xrf0) =	vmin.scan.msk.f32 $0xffff, v2;
	_ =	sdelay $0x2  }
0x15: {  	s19 =	simm.s32 $0x40  }
0x16: {  	s15 =	sand.u32 $0xE00, s19;
	s14 =	simm.s32 $0x10  }
0x17: {  	s15 =	sadd.s32 s15, s13;
	s16 =	sand.u32 $0x70, s14  }
0x18: {  	s17 =	simm.s32 $0x20;
	s20 =	simm.s32 $0x80;
	s15 =	sadd.s32 s16, s15;
	v2, _, _ =	vpop (xrf0)  }
0x19: {  	s18 =	simm.s32 $0x30;
	s19 =	simm.s32 $0xC0;
	s16 =	sand.u32 $0xE00, s20;
	(v2sf) =	vpush v2, $0xF;
	v2 =	vld [tilespmem:s15+$0x0]  }
0x1a: {  	s17 =	sand.u32 $0x70, s17;
	s19 =	sand.u32 $0xE00, s19;
	s16 =	sadd.s32 s16, s13  }
0x1b: {  	s22 =	sand.u32 $0x70, s18;
	s23 =	sadd.s32 s19, s13;
	s21 =	sadd.s32 s17, s16  }
0x1c: {  	s24 =	sadd.s32 s22, s23;
	v3 =	vld [tilespmem:s21+$0x0]  }
0x1d: {  	v4 =	vld [tilespmem:s24+$0x0]  }
0x1e: {  	(xrf0) =	vmin.scan.msk.f32 $0xffff, v2;
	_ =	sdelay $0x2  }
0x1f: {  	(xrf0) =	vmin.scan.msk.f32 $0xffff, v3  }
0x20: {  	(xrf0) =	vmin.scan.msk.f32 $0xffff, v4;
	_ =	sdelay $0x1  }
0x21: {  	v3, _, _ =	vpop (xrf0)  }
0x22: {  	(v2sf) =	vpush v3, $0xF;
	_ =	sdelay $0x1  }
0x23: {  	s25 =	simm.s32 $0x100;
	v3, _, _ =	vpop (xrf0)  }
0x24: {  	s26 =	simm.s32 $0x40;
	s15 =	sand.u32 $0xE00, s25;
	(v2sf) =	vpush v3, $0xF;
	v3, _, _ =	vpop (xrf0)  }
0x25: {  	s16 =	sand.u32 $0x70, s26;
	s15 =	sadd.s32 s15, s13;
	s31 =	spop (v2sf);
	(v2sf) =	vpush v3, $0xF  }
0x26: {  	s15 =	sadd.s32 s16, s15  }
0x27: {  	v2 =	vld [tilespmem:s15+$0x0];
	_ =	sdelay $0x1  }
0x28: {  	s28 =	simm.s32 $0x140  }
0x29: {  	s29 =	simm.s32 $0x50;
	s15 =	sand.u32 $0xE00, s28  }
0x2a: {  	s16 =	sand.u32 $0x70, s29;
	s30 =	sadd.s32 s15, s13  }
0x2b: {  	s17 =	simm.s32 $0x180;
	s16 =	sadd.s32 s16, s30;
	(xrf0) =	vmin.scan.msk.f32 $0xffff, v2  }
0x2c: {  	s15 =	simm.s32 $0x60;
	v2 =	vld [tilespmem:s16+$0x0];
	s16 =	simm.s32 $0x0;
	[smem:s12] =	sst s31  }
.LBB2_3:
0x2d: {  	s18 =	sand.u32 $0xE00, s17  }
0x2e: {  	s16 =	sadd.s32 $0x1, s16;
	s19 =	smov.u32 s15;
	p0 =	sne.s32 s15, $0x3F0  }
.Ltmp0:
0x2f: {  	s15 =	sadd.s32 $0x10, s15;
	s20 =	spop (v2sf);
	(pc) =	sbr.rel @p0 .LBB2_3-.Ltmp0, $4  }
0x30: {  	s19 =	sand.u32 $0x70, s19;
	s18 =	sadd.s32 s18, s13;
	[smem:s16] =	sst s20  }
0x31: {  	s18 =	sadd.s32 s19, s18;
	(xrf0) =	vmin.scan.msk.f32 $0xffff, v2;
	v3, _, _ =	vpop (xrf0)  }
0x32: {  	v2 =	vld [tilespmem:s18+$0x0];
	(v2sf) =	vpush v3, $0xF  }
0x33: {  	s17 =	sadd.s32 $0x40, s17  }
0x34: {  	_ =	sdelay $0x2  }
0x35: {  	(xrf0) =	vmin.scan.msk.f32 $0xffff, v2;
	_ =	sdelay $0x4  }
0x36: {  	v2, _, _ =	vpop (xrf0)  }
0x37: {  	(v2sf) =	vpush v2, $0xF;
	v2, _, _ =	vpop (xrf0)  }
0x38: {  	(v2sf) =	vpush v2, $0xF;
	_ =	sdelay $0xa  }
0x39: {  	s15 =	spop (v2sf);
	s16 =	sadd.s32 $0x1, s16  }
0x3a: {  	s17 =	spop (v2sf);
	[smem:s16] =	sst s15;
	s28 =	sadd.s32 $0x1, s16  }
0x3b: {  	[smem:s28] =	sst s17;
	s15 =	sadd.s32 $0x1, s28;
	s29 =	spop (v2sf)  }
0x3c: {  	[smem:s15] =	sst s29;
	s15 =	sadd.s32 $0x1, s15;
	s30 =	spop (v2sf)  }
0x3d: {  	[smem:s15] =	sst s30;
	s15 =	sadd.s32 $0x1, s15;
	s31 =	spop (v2sf)  }
0x3e: {  	[smem:s15] =	sst s31  }
0x3f: {  	s16 =	sld [smem:$0x0];
	_ =	sdelay $0x1  }
0x40: {  	s15 =	simm.f32 $+Inf  }
0x41: {  	p0 =	slt.f32 s16, s15;
	_ =	sdelay $0x1  }
0x42: {  	s16 =	sand.u32 @p0 $0xE00, s12  }
0x43: {  	s17 =	sand.u32 @p0 $0x70, s12;
	s16 =	sadd.s32 @p0 s16, s13  }
0x44: {  	s16 =	sadd.s32 @p0 s17, s16  }
0x45: {  	v2 =	vld @p0 [tilespmem:s16+$0x0];
	_ =	sdelay $0x4  }
0x46: {  	(xrf1) =	vsort.ascd.msk.f32 @p0 $0xffff, v2, v2;
	_ =	sdelay $0xa  }
0x47: {  	v2 =	vlaneseq.u32 @p0  }
0x48: {  	v2 =	vmul.u32 @p0 $0xFFFFFFFF, v2;
	_ =	sdelay $0x1  }
0x49: {  	v2 =	vadd.s32 @p0 $0xF, v2;
	v3, _, _ =	vpop @p0 (xrf1)  }
0x4a: {  	v3 =	vperm.xlane @p0 v3, v2  }
0x4b: {  	v4 =	vimm.f32 $+Inf  }
0x4c: {  	v5 =	vmin.f32 @p0 v4, v3  }
0x4d: {  	(xrf1) =	vsort.ascd.msk.f32 @p0 $0xffff, v5, v5;
	_ =	sdelay $0xd  }
0x4e: {  	v5, _, _ =	vpop @p0 (xrf1)  }
0x4f: {  	v3 =	vmax.f32 @p0 v4, v3;
	v5 =	vperm.xlane @p0 v5, v2  }
0x50: {  	(xrf1) =	vsort.ascd.msk.f32 @p0 $0xffff, v3, v3  }
0x51: {  	v3 =	vmax.f32 @p0 v4, v5  }
0x52: {  	(xrf1) =	vsort.ascd.msk.f32 @p0 $0xffff, v3, v3;
	_ =	sdelay $0xb  }
0x53: {  	v3, _, _ =	vpop @p0 (xrf1)  }
0x54: {  	v2 =	vperm.xlane @p0 v3, v2  }
0x55: {  	v3 =	vmin.f32 @p0 v4, v5;
	v5, _, _ =	vpop @p0 (xrf1)  }
0x56: {  	(xrf1) =	vsort.ascd.msk.f32 @p0 $0xffff, v3, v3;
	v2 =	vmin.f32 @p0 v5, v2  }
0x57: {  	(xrf1) =	vsort.ascd.msk.f32 @p0 $0xffff, v2, v2;
	_ =	sdelay $0xc  }
0x58: {  	v2, _, _ =	vpop @p0 (xrf1)  }
0x59: {  	v3, _, _ =	vpop @p0 (xrf1)  }
0x5a: {  	(xrf0) =	vmax.scan.msk.f32 @p0 $0xffff, v3;
	_ =	sdelay $0x5  }
0x5b: {  	v5, _, _ =	vpop @p0 (xrf0)  }
0x5c: {  	(v2sf) =	vpush @p0 v5, $0xF;
	_ =	sdelay $0xc  }
0x5d: {  	s16 =	simm.s32 $0x1;
	v2 =	vpsel p0, v2, v4;
	v3 =	vpsel p0, v3, v4  }
.LBB2_5:
0x5e: {  	s17 =	sld [smem:s16+$0x0];
	s18 =	smov.u32 s14;
	s14 =	sadd.s32 $0x10, s14  }
0x5f: {  	p1 =	sne.s32 s14, $0x400;
	s19 =	spop @p0 (v2sf)  }
0x60: {  	s15 =	smov.u32 @p0 s19  }
0x61: {  	p0 =	slt.f32 s17, s15  }
0x62: {  	s12 =	sadd.s32 $0x40, s12  }
0x63: {  	s17 =	sand.u32 @p0 $0xE00, s12  }
0x64: {  	s18 =	sand.u32 @p0 $0x70, s18;
	s17 =	sadd.s32 @p0 s17, s13  }
0x65: {  	s17 =	sadd.s32 @p0 s18, s17  }
0x66: {  	v4 =	vld @p0 [tilespmem:s17+$0x0];
	_ =	sdelay $0x4  }
0x67: {  	(xrf1) =	vsort.ascd.msk.f32 @p0 $0xffff, v4, v4;
	_ =	sdelay $0xa  }
0x68: {  	v4 =	vlaneseq.u32 @p0  }
0x69: {  	v4 =	vmul.u32 @p0 $0xFFFFFFFF, v4;
	_ =	sdelay $0x1  }
0x6a: {  	v4 =	vadd.s32 @p0 $0xF, v4;
	v5, _, _ =	vpop @p0 (xrf1)  }
0x6b: {  	v5 =	vperm.xlane @p0 v5, v4;
	_ =	sdelay $0x1  }
0x6c: {  	v6 =	vmin.f32 @p0 v3, v5  }
0x6d: {  	(xrf1) =	vsort.ascd.msk.f32 @p0 $0xffff, v6, v6;
	_ =	sdelay $0xd  }
0x6e: {  	v6, _, _ =	vpop @p0 (xrf1)  }
0x6f: {  	v5 =	vmax.f32 @p0 v3, v5;
	v6 =	vperm.xlane @p0 v6, v4  }
0x70: {  	(xrf1) =	vsort.ascd.msk.f32 @p0 $0xffff, v5, v5  }
0x71: {  	v5 =	vmin.f32 @p0 v2, v6;
	v6 =	vmax.f32 @p0 v2, v6  }
0x72: {  	(xrf1) =	vsort.ascd.msk.f32 @p0 $0xffff, v6, v6  }
0x73: {  	(xrf1) =	vsort.ascd.msk.f32 @p0 $0xffff, v5, v5;
	_ =	sdelay $0xa  }
0x74: {  	v5, _, _ =	vpop @p0 (xrf1)  }
0x75: {  	v4 =	vperm.xlane @p0 v5, v4  }
0x76: {  	v5, _, _ =	vpop @p0 (xrf1)  }
0x77: {  	v4 =	vmin.f32 @p0 v5, v4;
	v5, _, _ =	vpop @p0 (xrf1)  }
0x78: {  	v2 =	vpsel p0, v5, v2;
	(xrf1) =	vsort.ascd.msk.f32 @p0 $0xffff, v4, v4;
	_ =	sdelay $0xd  }
0x79: {  	v4, _, _ =	vpop @p0 (xrf1)  }
0x7a: {  	v3 =	vpsel p0, v4, v3;
	(xrf0) =	vmax.scan.msk.f32 @p0 $0xffff, v4;
	_ =	sdelay $0x5  }
0x7b: {  	v4, _, _ =	vpop @p0 (xrf0)  }
0x7c: {  	(v2sf) =	vpush @p0 v4, $0xF;
	_ =	sdelay $0x8  }
.Ltmp1:
0x7d: {  	(pc) =	sbr.rel @p1 .LBB2_5-.Ltmp1, $2  }
0x7e: {  	_ =	sdelay $0x2  }
0x7f: {  	s16 =	sadd.s32 $0x1, s16  }
0x80: {  	v3 =	vnsel vm0, $0x0, v3  }
0x81: {  	v2 =	vadd.f32 v3, v2;
	_ =	sdelay $0x1  }
0x82: {  	(xrf2) =	vadd.scan.msk.f32 $0xffff, v2;
	_ =	sdelay $0x6  }
0x83: {  	v3 =	vmov s11;
	s11 =	sadd.s32 $0x1, s11  }
0x84: {  	p1 =	sne.s32 s11, $0x4  }
.Ltmp2:
0x85: {  	_ = 	snop;
	(pc) =	sbr.rel @p1 .LBB2_2-.Ltmp2, $4  }
0x86: {  	v2, _, _ =	vpop (xrf2)  }
0x87: {  	v2 =	vbroadcast v2, $0xF  }
0x88: {  	vm1 =	veq.s32 v3, v0  }
0x89: {  	s12 =	spop @p0 (v2sf);
	v1 =	vsel vm1, v2, v1  }
0x8a: {  	s10 =	sadd.s32 $0x1, s10  }
0x8b: {  	p0 =	sne.s32 s10, s5  }
.Ltmp3:
0x8c: {  	[tilespmem:$0x1000] =	vst v1;
	(pc) =	sbr.rel @p0 .LBB2_1-.Ltmp3, $4  }
0x8d: {  	[hbm4b:s4+s1] =	stream.linear.scatter [tilespmem:s9], [sflag:$0x1], $0x80, $0x38;
	[tilespmem:$0x1080] =	vst v63  }
0x8e: {  	_ =	swait.ge [sflag:s8], $0x80  }
0x8f: {  	[sflag:s8] =	ssyncset.done $0x0  }
0x90: {  	[sflag:s8] =	ssyncadd.s32 $0xFFFFFF80  }
0x91: {  	_ =	sfence.sel $0x180000  }
0x92: {  	[bflag:$0x0] =	sbarrier.arrive $0xFFFF  }
0x93: {  	p0 =	sne.s32 s2, $0x0;
	_ =	strace $0x90000047  }
0x94: {  	s0 =	sadd.s32 @!p0 $0x100000, s0;
	[bflag:$0x2] =	sbarrier.arrive $0xFFFF  }
0x95: {  	[sflag:s0] =	ssyncadd.tile.s32 @!p0 $0x1;
	_ =	shalt  }
.Lfunc_end2:
_tile_overlayer_lowered:
.L_overlay_start_2:
0x96: {  	(tag) =	ssettag $0x2  }
0x97: {  	s0 =	rddreg [dreg:$0x0];
	s2 =	stileid.u32  }
0x98: {  	s1 =	rddreg [dreg:$0x1];
	p0 =	sne.s32 s2, $0x0  }
0x99: {  	s3 =	rddreg [dreg:$0x2];
	[bflag:$0x3] =	sbarrier.arrive $0xFFFF;
	s2 =	simm.s32 @!p0 $0x1C01  }
0x9a: {  	[timem:s3], [sflag:s2] =	dma.local @!p0 [hbm:s0], s1  }
0x9b: {  	s0 =	simm.s32 @!p0 $0x1  }
0x9c: {  	_ =	swait.ge @!p0 [sflag:s0], s1  }
0x9d: {  	s1 =	ssub.s32 @!p0 $0x0, s1;
	[sflag:s0] =	ssyncset.done @!p0 $0x0  }
0x9e: {  	[sflag:s0] =	ssyncadd.s32 @!p0 s1  }
0x9f: {  	[bflag:$0x3] =	sbarrier.arrive $0xFFFF  }
0xa0: {  	_ =	shalt  }

</sc_bundles>
